<compile_context>
chip_gen: v7x
topology: tpu7x:2x2x1
jax: 0.10.2.dev20260603
libtpu: 0.0.44.dev20260713+nightly
codegen_flags: <defaults>
</compile_context>

<pallas_src>
import jax
import jax.numpy as jnp
from jax import lax
from jax.experimental import pallas as pl
from jax.experimental.pallas import tpu as pltpu
from jax.experimental.pallas import tpu_sc as plsc

_N = 5000
_L = 16
_NCHUNK = 313
_CGRP = 20
_WPAD = _CGRP * _L * _L
_CPAD = 512
_SPAD = 2 * _L
_KCAP = 112
_KV = _KCAP // _L
_TRASH = _KCAP - 1
_IMTOP = 100
_OUTPAD = 512
_OTRASH = (_IMTOP + 1) * 5
_IOU_THR = 0.5
_SCORE_THR = 0.05
_NEG_INF = float("-inf")


def _splat(idx):
    return jnp.full((_L,), idx, jnp.int32)


def _scal(v):
    return v if v.ndim == 0 else v[0]


def _load1(ref, idx):
    return plsc.load_gather(ref, (_splat(idx),))[0]


def _store1(ref, idx, val):
    plsc.store_scatter(ref, (_splat(idx),), jnp.full((_L,), val, jnp.float32))


def _ffs(mask):
    return _scal(plsc.all_reduce_ffs(mask))


def _nms_body(boxes_h, sc_h, out_h,
              bb, wsc, sraw,
              chunk, sup, kx1, ky1, kx2, ky2, karea,
              fx1, fy1, fx2, fy2, fsc, obuf, dma1, dma2, dma3):
    cid = lax.axis_index("c")
    sid = lax.axis_index("s")

    @pl.when((cid == 0) & (sid == 0))
    def _tile0():
        c1 = pltpu.make_async_copy(boxes_h, bb, dma1)
        c2 = pltpu.make_async_copy(sc_h, wsc.at[pl.ds(0, _N)], dma2)
        c3 = pltpu.make_async_copy(sc_h, sraw, dma3)
        c1.start()
        c2.start()
        c3.start()
        c1.wait()
        c2.wait()
        c3.wait()

        zeros = jnp.zeros((_L,), jnp.float32)
        ninfs = jnp.full((_L,), _NEG_INF, jnp.float32)
        lanes = lax.iota(jnp.int32, _L)

        tailv = wsc[pl.ds(4992, _L)]
        wsc[pl.ds(4992, _L)] = jnp.where(lanes < (_N - 4992), tailv, ninfs)
        for j in range((_WPAD - 5008) // _L):
            wsc[pl.ds(5008 + j * _L, _L)] = ninfs

        def init_group(k, _):
            base = _splat(k * 256) + lanes * _L
            cm = plsc.load_gather(wsc, (base,))
            for j in range(1, _L):
                cm = jnp.maximum(cm, plsc.load_gather(wsc, (base + j,)))
            chunk[pl.ds(pl.multiple_of(k * _L, _L), _L)] = cm
            return 0

        lax.fori_loop(0, _CGRP, init_group, 0)
        for j in range(_CGRP, _CPAD // _L):
            chunk[pl.ds(j * _L, _L)] = ninfs

        for k in range(2):
            base = _splat(k * 256) + lanes * _L
            sm = plsc.load_gather(chunk, (base,))
            for j in range(1, _L):
                sm = jnp.maximum(sm, plsc.load_gather(chunk, (base + j,)))
            sup[pl.ds(k * _L, _L)] = sm


        def scan_cond(carry):
            kc, fc, done = carry
            return (kc < _IMTOP) & (done == 0)

        def scan_body(carry):
            kc, fc, done = carry
            v0 = sup[pl.ds(0, _L)]
            v1 = sup[pl.ds(_L, _L)]
            mv = jnp.maximum(v0, v1)
            m = jnp.max(mv)
            done_now = (m < _SCORE_THR).astype(jnp.int32)
            l0 = _ffs(v0 == m)
            l1 = _ffs(v1 == m)
            in0 = _scal(plsc.all_reduce_population_count(v0 == m))
            sstar = jnp.where(in0 > 0, l0, _L + l1)
            cmv = chunk[pl.ds(pl.multiple_of(sstar * _L, _L), _L)]
            cstar = sstar * _L + _ffs(cmv == m)
            co = pl.multiple_of(cstar * _L, _L)
            sv = wsc[pl.ds(co, _L)]
            g = cstar * _L + _ffs(sv == m)

            _store1(wsc, g, _NEG_INF)
            _store1(chunk, cstar, jnp.max(wsc[pl.ds(co, _L)]))
            so = pl.multiple_of(sstar * _L, _L)
            _store1(sup, sstar, jnp.max(chunk[pl.ds(so, _L)]))

            bv = plsc.load_gather(bb, (_splat(g * 4) + (lanes & 3),))
            bx1 = bv[0]
            by1 = bv[1]
            bx2 = bv[2]
            by2 = bv[3]
            ba = (bx2 - bx1) * (by2 - by1)

            anym = jnp.zeros((_L,), jnp.bool_)
            for j in range(_KV):
                kxa = kx1[pl.ds(j * _L, _L)]
                kya = ky1[pl.ds(j * _L, _L)]
                kxb = kx2[pl.ds(j * _L, _L)]
                kyb = ky2[pl.ds(j * _L, _L)]
                ka = karea[pl.ds(j * _L, _L)]
                iw = jnp.maximum(
                    jnp.minimum(kxb, bx2) - jnp.maximum(kxa, bx1), 0.0)
                ih = jnp.maximum(
                    jnp.minimum(kyb, by2) - jnp.maximum(kya, by1), 0.0)
                inter = iw * ih
                iou = inter / (ka + ba - inter + 1e-9)
                anym = anym | ((iou > _IOU_THR) & ((lanes + j * _L) < kc))
            nsup = _scal(plsc.all_reduce_population_count(anym))

            live = done_now == 0
            keep = live & (nsup == 0)
            filled = live & (nsup > 0) & (fc < _IMTOP)

            kslot = jnp.where(keep, kc, _TRASH)
            _store1(kx1, kslot, bx1)
            _store1(ky1, kslot, by1)
            _store1(kx2, kslot, bx2)
            _store1(ky2, kslot, by2)
            _store1(karea, kslot, ba)
            ob = jnp.where(keep, kc * 5, _OTRASH)
            _store1(obuf, ob, bx1)
            _store1(obuf, ob + 1, by1)
            _store1(obuf, ob + 2, bx2)
            _store1(obuf, ob + 3, by2)
            _store1(obuf, ob + 4, m)
            fslot = jnp.where(filled, fc, _TRASH)
            _store1(fx1, fslot, bx1)
            _store1(fy1, fslot, by1)
            _store1(fx2, fslot, bx2)
            _store1(fy2, fslot, by2)
            _store1(fsc, fslot, m)

            kc2 = jnp.where(keep, kc + 1, kc)
            fc2 = jnp.where(filled, fc + 1, fc)
            return kc2, fc2, done_now

        kc, fc, _ = lax.while_loop(
            scan_cond, scan_body,
            (jnp.int32(0), jnp.int32(0), jnp.int32(0)))

        def fill_cond(carry):
            r, fi = carry
            return (r < _IMTOP) & (fi < fc)

        def fill_body(carry):
            r, fi = carry
            ob = r * 5
            _store1(obuf, ob, _load1(fx1, fi))
            _store1(obuf, ob + 1, _load1(fy1, fi))
            _store1(obuf, ob + 2, _load1(fx2, fi))
            _store1(obuf, ob + 3, _load1(fy2, fi))
            _store1(obuf, ob + 4, _load1(fsc, fi))
            return r + 1, fi + 1

        r, _ = lax.while_loop(fill_cond, fill_body, (kc, jnp.int32(0)))

        def inv_cond(carry):
            r2, t = carry
            return (r2 < _IMTOP) & (t < _N)

        def inv_body(carry):
            r2, t = carry
            invalid = _load1(sraw, t) < _SCORE_THR

            @pl.when(invalid)
            def _w():
                ob = r2 * 5
                _store1(obuf, ob, _load1(bb, t * 4))
                _store1(obuf, ob + 1, _load1(bb, t * 4 + 1))
                _store1(obuf, ob + 2, _load1(bb, t * 4 + 2))
                _store1(obuf, ob + 3, _load1(bb, t * 4 + 3))
                _store1(obuf, ob + 4, _NEG_INF)

            return jnp.where(invalid, r2 + 1, r2), t + 1

        lax.while_loop(inv_cond, inv_body, (r, jnp.int32(0)))

        pltpu.sync_copy(obuf, out_h)


@jax.jit
def kernel(boxes, scores):
    mesh = plsc.VectorSubcoreMesh(core_axis_name="c", subcore_axis_name="s")
    flat = pl.kernel(
        _nms_body,
        out_type=jax.ShapeDtypeStruct((_OUTPAD,), jnp.float32),
        mesh=mesh,
        compiler_params=pltpu.CompilerParams(needs_layout_passes=False),
        scratch_types=[
            pltpu.VMEM((_N * 4,), jnp.float32),
            pltpu.VMEM((_WPAD,), jnp.float32),
            pltpu.VMEM((_N,), jnp.float32),
            pltpu.VMEM((_CPAD,), jnp.float32),
            pltpu.VMEM((_SPAD,), jnp.float32),
            pltpu.VMEM((_KCAP,), jnp.float32),
            pltpu.VMEM((_KCAP,), jnp.float32),
            pltpu.VMEM((_KCAP,), jnp.float32),
            pltpu.VMEM((_KCAP,), jnp.float32),
            pltpu.VMEM((_KCAP,), jnp.float32),
            pltpu.VMEM((_KCAP,), jnp.float32),
            pltpu.VMEM((_KCAP,), jnp.float32),
            pltpu.VMEM((_KCAP,), jnp.float32),
            pltpu.VMEM((_KCAP,), jnp.float32),
            pltpu.VMEM((_KCAP,), jnp.float32),
            pltpu.VMEM((_OUTPAD,), jnp.float32),
            pltpu.SemaphoreType.DMA,
            pltpu.SemaphoreType.DMA,
            pltpu.SemaphoreType.DMA,
        ],
    )(boxes.reshape(_N * 4), scores)
    return flat[: _IMTOP * 5].reshape(_IMTOP, 5)

# --- scband reference (transcript-rebuilt; emitter-appended) ---
"""Pipeline reference for scband-faster-rcnn-3109556322621 (READ-ONLY COPY).

The authoritative reference and input builder live on the scoring server;
editing this copy changes nothing except your own understanding.
"""

import jax, jax.numpy as jnp
import numpy as np

N = 5000
IOU_THR = 0.5
SCORE_THR = 0.05
IMTOP = 100


def setup_inputs(seed: int = 0) -> dict:
    key = jax.random.key(seed)
    kb, ks = jax.random.split(key)
    raw = jax.random.uniform(kb, (N, 4), dtype=jnp.float32)
    x1 = raw[:, 0] * 1200.0
    y1 = raw[:, 1] * 768.0
    w = raw[:, 2] * 128.0 + 2.0
    h = raw[:, 3] * 128.0 + 2.0
    boxes = jnp.stack([x1, y1, x1 + w, y1 + h], axis=1)
    scores = jax.random.uniform(ks, (N,), dtype=jnp.float32)
    return {"boxes": boxes, "scores": scores}


def _iou_matrix(b):
    x1, y1, x2, y2 = b[:, 0], b[:, 1], b[:, 2], b[:, 3]
    area = (x2 - x1) * (y2 - y1)
    xx1 = jnp.maximum(x1[:, None], x1[None, :])
    yy1 = jnp.maximum(y1[:, None], y1[None, :])
    xx2 = jnp.minimum(x2[:, None], x2[None, :])
    yy2 = jnp.minimum(y2[:, None], y2[None, :])
    inter = jnp.clip(xx2 - xx1, 0.0) * jnp.clip(yy2 - yy1, 0.0)
    return inter / (area[:, None] + area[None, :] - inter + 1e-9)


def _nms_keep(boxes_sorted, valid_sorted):
    # greedy NMS over score-sorted boxes (equivalent to torchvision.ops.nms)
    n = boxes_sorted.shape[0]
    iou = _iou_matrix(boxes_sorted)
    idx = jnp.arange(n)

    def body(i, keep):
        sup = (iou[i] > IOU_THR) & (idx > i) & keep[i] & keep
        return keep & (~sup)

    return jax.lax.fori_loop(0, n, body, valid_sorted)


def reference(boxes, scores):
    # score threshold (score_thr2 stage in FasterRCNN post-processing)
    valid = scores >= SCORE_THR
    s = jnp.where(valid, scores, -jnp.inf)
    # sort by descending score
    order = jnp.argsort(-s)
    b_s = boxes[order]
    s_s = s[order]
    # greedy IoU suppression
    keep = _nms_keep(b_s, jnp.isfinite(s_s))
    # keep top imtop survivors (imtop2=100)
    kept_scores = jnp.where(keep, s_s, -jnp.inf)
    _, top_idx = jax.lax.top_k(kept_scores, IMTOP)
    sel_boxes = b_s[top_idx]
    sel_scores = s_s[top_idx]
    return jnp.concatenate([sel_boxes, sel_scores[:, None]], axis=1)

if __name__ == "__main__":
    import jax
    _d = setup_inputs()
    print(jax.jit(kernel)(*tuple(_d.values())))

</pallas_src>

<mosaic_0001>
#map = affine_map<(d0, d1) -> (0)>
module attributes {stable_mosaic.version = 14 : i64} {
  func.func @_nms_body(%arg0: i32, %arg1: i32, %arg2: memref<20000xf32, #tpu.memory_space<hbm>>, %arg3: memref<5000xf32, #tpu.memory_space<hbm>>, %arg4: memref<512xf32, #tpu.memory_space<hbm>>, %arg5: memref<20000xf32, #tpu.memory_space<vmem>>, %arg6: memref<5120xf32, #tpu.memory_space<vmem>>, %arg7: memref<5000xf32, #tpu.memory_space<vmem>>, %arg8: memref<512xf32, #tpu.memory_space<vmem>>, %arg9: memref<32xf32, #tpu.memory_space<vmem>>, %arg10: memref<112xf32, #tpu.memory_space<vmem>>, %arg11: memref<112xf32, #tpu.memory_space<vmem>>, %arg12: memref<112xf32, #tpu.memory_space<vmem>>, %arg13: memref<112xf32, #tpu.memory_space<vmem>>, %arg14: memref<112xf32, #tpu.memory_space<vmem>>, %arg15: memref<112xf32, #tpu.memory_space<vmem>>, %arg16: memref<112xf32, #tpu.memory_space<vmem>>, %arg17: memref<112xf32, #tpu.memory_space<vmem>>, %arg18: memref<112xf32, #tpu.memory_space<vmem>>, %arg19: memref<112xf32, #tpu.memory_space<vmem>>, %arg20: memref<512xf32, #tpu.memory_space<vmem>>, %arg21: memref<!tpu.dma_semaphore, #tpu.memory_space<semaphore_mem>>, %arg22: memref<!tpu.dma_semaphore, #tpu.memory_space<semaphore_mem>>, %arg23: memref<!tpu.dma_semaphore, #tpu.memory_space<semaphore_mem>>) attributes {dimension_semantics = [#tpu.dimension_semantics<core_parallel>, #tpu.dimension_semantics<subcore_parallel>], iteration_bounds = array<i64: 2, 16>, scalar_prefetch = 0 : i64, scratch_operands = 19 : i64, tpu.core_type = #tpu.core_type<sc_vector_subcore>, window_params = [{transform_indices = #map}, {transform_indices = #map}, {transform_indices = #map}]} {
    %eq3A = arith.constant 0 : i32
    %eq3A_0 = arith.cmpi eq, %arg0, %eq3A : i32
    %eq3A_1 = arith.constant 0 : i32
    %eq3A_2 = arith.cmpi eq, %arg1, %eq3A_1 : i32
    %and3A = arith.andi %eq3A_0, %eq3A_2 : i1
    %convert_element_type3A = arith.extui %and3A : i1 to i32
    %cond3A = arith.constant 0 : i32
    %cond3A_3 = arith.cmpi ne, %convert_element_type3A, %cond3A : i32
    scf.if %cond3A_3 {
      tpu.enqueue_dma source(%arg2 : memref<20000xf32, #tpu.memory_space<hbm>>) target(%arg5 : memref<20000xf32, #tpu.memory_space<vmem>>) target_semaphore(%arg21 : memref<!tpu.dma_semaphore, #tpu.memory_space<semaphore_mem>>)
      %dma_start3A = arith.constant 0 : i32
      %dma_start3A_4 = tpu.memref_slice %arg6[%dma_start3A] : memref<5120xf32, #tpu.memory_space<vmem>> -> memref<5000xf32, #tpu.memory_space<vmem>>
      %dma_start3A_5 = arith.constant 0 : i32
      %dma_start3A_6 = tpu.memref_slice %arg6[%dma_start3A_5] : memref<5120xf32, #tpu.memory_space<vmem>> -> memref<5000xf32, #tpu.memory_space<vmem>>
      tpu.enqueue_dma source(%arg3 : memref<5000xf32, #tpu.memory_space<hbm>>) target(%dma_start3A_6 : memref<5000xf32, #tpu.memory_space<vmem>>) target_semaphore(%arg22 : memref<!tpu.dma_semaphore, #tpu.memory_space<semaphore_mem>>)
      tpu.enqueue_dma source(%arg3 : memref<5000xf32, #tpu.memory_space<hbm>>) target(%arg7 : memref<5000xf32, #tpu.memory_space<vmem>>) target_semaphore(%arg23 : memref<!tpu.dma_semaphore, #tpu.memory_space<semaphore_mem>>)
      tpu.wait_dma2 semaphore(%arg21 : memref<!tpu.dma_semaphore, #tpu.memory_space<semaphore_mem>>) src(%arg2 : memref<20000xf32, #tpu.memory_space<hbm>>) dst(%arg5 : memref<20000xf32, #tpu.memory_space<vmem>>)
      %dma_wait3A = arith.constant 0 : i32
      %dma_wait3A_7 = tpu.memref_slice %arg6[%dma_wait3A] : memref<5120xf32, #tpu.memory_space<vmem>> -> memref<5000xf32, #tpu.memory_space<vmem>>
      %dma_wait3A_8 = arith.constant 0 : i32
      %dma_wait3A_9 = tpu.memref_slice %arg6[%dma_wait3A_8] : memref<5120xf32, #tpu.memory_space<vmem>> -> memref<5000xf32, #tpu.memory_space<vmem>>
      tpu.wait_dma2 semaphore(%arg22 : memref<!tpu.dma_semaphore, #tpu.memory_space<semaphore_mem>>) src(%arg3 : memref<5000xf32, #tpu.memory_space<hbm>>) dst(%dma_wait3A_9 : memref<5000xf32, #tpu.memory_space<vmem>>)
      tpu.wait_dma2 semaphore(%arg23 : memref<!tpu.dma_semaphore, #tpu.memory_space<semaphore_mem>>) src(%arg3 : memref<5000xf32, #tpu.memory_space<hbm>>) dst(%arg7 : memref<5000xf32, #tpu.memory_space<vmem>>)
      %broadcast_in_dim3A = arith.constant 0.000000e+00 : f32
      %broadcast_in_dim3A_10 = vector.broadcast %broadcast_in_dim3A : f32 to vector<16xf32>
      %broadcast_in_dim3A_11 = arith.constant 0xFF800000 : f32
      %broadcast_in_dim3A_12 = vector.broadcast %broadcast_in_dim3A_11 : f32 to vector<16xf32>
      %iota3A = tpu.iota {dimensions = array<i32: 0>} : vector<16xi32>
      %get3A = arith.constant 4992 : index
      %get3A_13 = tpu.vector_load %arg6[%get3A] {strides = array<i32>} : memref<5120xf32, #tpu.memory_space<vmem>>, vector<16xf32>,
      %lt3A = arith.constant 8 : i32
      %lt3A_14 = vector.broadcast %lt3A : i32 to vector<16xi32>
      %lt3A_15 = arith.cmpi slt, %iota3A, %lt3A_14 : vector<16xi32>
      %select_n3A = arith.select %lt3A_15, %get3A_13, %broadcast_in_dim3A_12 : vector<16xi1>, vector<16xf32>
      %swap3A = arith.constant 4992 : index
      %swap3A_16 = tpu.vector_load %arg6[%swap3A] {strides = array<i32>} : memref<5120xf32, #tpu.memory_space<vmem>>, vector<16xf32>,
      tpu.vector_store %arg6[%swap3A], %select_n3A {strides = array<i32>} : memref<5120xf32, #tpu.memory_space<vmem>>, vector<16xf32>,
      %swap3A_17 = arith.constant 5008 : index
      %swap3A_18 = tpu.vector_load %arg6[%swap3A_17] {strides = array<i32>} : memref<5120xf32, #tpu.memory_space<vmem>>, vector<16xf32>,
      tpu.vector_store %arg6[%swap3A_17], %broadcast_in_dim3A_12 {strides = array<i32>} : memref<5120xf32, #tpu.memory_space<vmem>>, vector<16xf32>,
      %swap3A_19 = arith.constant 5024 : index
      %swap3A_20 = tpu.vector_load %arg6[%swap3A_19] {strides = array<i32>} : memref<5120xf32, #tpu.memory_space<vmem>>, vector<16xf32>,
      tpu.vector_store %arg6[%swap3A_19], %broadcast_in_dim3A_12 {strides = array<i32>} : memref<5120xf32, #tpu.memory_space<vmem>>, vector<16xf32>,
      %swap3A_21 = arith.constant 5040 : index
      %swap3A_22 = tpu.vector_load %arg6[%swap3A_21] {strides = array<i32>} : memref<5120xf32, #tpu.memory_space<vmem>>, vector<16xf32>,
      tpu.vector_store %arg6[%swap3A_21], %broadcast_in_dim3A_12 {strides = array<i32>} : memref<5120xf32, #tpu.memory_space<vmem>>, vector<16xf32>,
      %swap3A_23 = arith.constant 5056 : index
      %swap3A_24 = tpu.vector_load %arg6[%swap3A_23] {strides = array<i32>} : memref<5120xf32, #tpu.memory_space<vmem>>, vector<16xf32>,
      tpu.vector_store %arg6[%swap3A_23], %broadcast_in_dim3A_12 {strides = array<i32>} : memref<5120xf32, #tpu.memory_space<vmem>>, vector<16xf32>,
      %swap3A_25 = arith.constant 5072 : index
      %swap3A_26 = tpu.vector_load %arg6[%swap3A_25] {strides = array<i32>} : memref<5120xf32, #tpu.memory_space<vmem>>, vector<16xf32>,
      tpu.vector_store %arg6[%swap3A_25], %broadcast_in_dim3A_12 {strides = array<i32>} : memref<5120xf32, #tpu.memory_space<vmem>>, vector<16xf32>,
      %swap3A_27 = arith.constant 5088 : index
      %swap3A_28 = tpu.vector_load %arg6[%swap3A_27] {strides = array<i32>} : memref<5120xf32, #tpu.memory_space<vmem>>, vector<16xf32>,
      tpu.vector_store %arg6[%swap3A_27], %broadcast_in_dim3A_12 {strides = array<i32>} : memref<5120xf32, #tpu.memory_space<vmem>>, vector<16xf32>,
      %swap3A_29 = arith.constant 5104 : index
      %swap3A_30 = tpu.vector_load %arg6[%swap3A_29] {strides = array<i32>} : memref<5120xf32, #tpu.memory_space<vmem>>, vector<16xf32>,
      tpu.vector_store %arg6[%swap3A_29], %broadcast_in_dim3A_12 {strides = array<i32>} : memref<5120xf32, #tpu.memory_space<vmem>>, vector<16xf32>,
      %scan3A = arith.constant 0 : i32
      %scan3A_31 = arith.constant 0 : i32
      %scan3A_32 = arith.constant 20 : i32
      %scan3A_33 = arith.addi %scan3A_31, %scan3A_32 : i32
      %scan3A_34 = arith.constant 1 : i32
      %scan3A_35 = scf.for %scan3A_232 = %scan3A_31 to %scan3A_33 step %scan3A_34 iter_args(%scan3A_233 = %scan3A) -> (i32)  : i32 {
        %mul3A_234 = arith.constant 256 : i32
        %mul3A_235 = arith.muli %scan3A_232, %mul3A_234 : i32
        %broadcast_in_dim3A_236 = vector.broadcast %mul3A_235 : i32 to vector<16xi32>
        %mul3A_237 = arith.constant 16 : i32
        %mul3A_238 = vector.broadcast %mul3A_237 : i32 to vector<16xi32>
        %mul3A_239 = arith.muli %iota3A, %mul3A_238 : vector<16xi32>
        %add3A_240 = arith.addi %broadcast_in_dim3A_236, %mul3A_239 : vector<16xi32>
        %gather3A_241 = tpu.vector_load_idx %arg6[%add3A_240] : memref<5120xf32, #tpu.memory_space<vmem>>[vector<16xi32>], vector<16xf32>,
        %add3A_242 = arith.constant 1 : i32
        %add3A_243 = vector.broadcast %add3A_242 : i32 to vector<16xi32>
        %add3A_244 = arith.addi %add3A_240, %add3A_243 : vector<16xi32>
        %gather3A_245 = tpu.vector_load_idx %arg6[%add3A_244] : memref<5120xf32, #tpu.memory_space<vmem>>[vector<16xi32>], vector<16xf32>,
        %max3A_246 = arith.maximumf %gather3A_241, %gather3A_245 : vector<16xf32>
        %add3A_247 = arith.constant 2 : i32
        %add3A_248 = vector.broadcast %add3A_247 : i32 to vector<16xi32>
        %add3A_249 = arith.addi %add3A_240, %add3A_248 : vector<16xi32>
        %gather3A_250 = tpu.vector_load_idx %arg6[%add3A_249] : memref<5120xf32, #tpu.memory_space<vmem>>[vector<16xi32>], vector<16xf32>,
        %max3A_251 = arith.maximumf %max3A_246, %gather3A_250 : vector<16xf32>
        %add3A_252 = arith.constant 3 : i32
        %add3A_253 = vector.broadcast %add3A_252 : i32 to vector<16xi32>
        %add3A_254 = arith.addi %add3A_240, %add3A_253 : vector<16xi32>
        %gather3A_255 = tpu.vector_load_idx %arg6[%add3A_254] : memref<5120xf32, #tpu.memory_space<vmem>>[vector<16xi32>], vector<16xf32>,
        %max3A_256 = arith.maximumf %max3A_251, %gather3A_255 : vector<16xf32>
        %add3A_257 = arith.constant 4 : i32
        %add3A_258 = vector.broadcast %add3A_257 : i32 to vector<16xi32>
        %add3A_259 = arith.addi %add3A_240, %add3A_258 : vector<16xi32>
        %gather3A_260 = tpu.vector_load_idx %arg6[%add3A_259] : memref<5120xf32, #tpu.memory_space<vmem>>[vector<16xi32>], vector<16xf32>,
        %max3A_261 = arith.maximumf %max3A_256, %gather3A_260 : vector<16xf32>
        %add3A_262 = arith.constant 5 : i32
        %add3A_263 = vector.broadcast %add3A_262 : i32 to vector<16xi32>
        %add3A_264 = arith.addi %add3A_240, %add3A_263 : vector<16xi32>
        %gather3A_265 = tpu.vector_load_idx %arg6[%add3A_264] : memref<5120xf32, #tpu.memory_space<vmem>>[vector<16xi32>], vector<16xf32>,
        %max3A_266 = arith.maximumf %max3A_261, %gather3A_265 : vector<16xf32>
        %add3A_267 = arith.constant 6 : i32
        %add3A_268 = vector.broadcast %add3A_267 : i32 to vector<16xi32>
        %add3A_269 = arith.addi %add3A_240, %add3A_268 : vector<16xi32>
        %gather3A_270 = tpu.vector_load_idx %arg6[%add3A_269] : memref<5120xf32, #tpu.memory_space<vmem>>[vector<16xi32>], vector<16xf32>,
        %max3A_271 = arith.maximumf %max3A_266, %gather3A_270 : vector<16xf32>
        %add3A_272 = arith.constant 7 : i32
        %add3A_273 = vector.broadcast %add3A_272 : i32 to vector<16xi32>
        %add3A_274 = arith.addi %add3A_240, %add3A_273 : vector<16xi32>
        %gather3A_275 = tpu.vector_load_idx %arg6[%add3A_274] : memref<5120xf32, #tpu.memory_space<vmem>>[vector<16xi32>], vector<16xf32>,
        %max3A_276 = arith.maximumf %max3A_271, %gather3A_275 : vector<16xf32>
        %add3A_277 = arith.constant 8 : i32
        %add3A_278 = vector.broadcast %add3A_277 : i32 to vector<16xi32>
        %add3A_279 = arith.addi %add3A_240, %add3A_278 : vector<16xi32>
        %gather3A_280 = tpu.vector_load_idx %arg6[%add3A_279] : memref<5120xf32, #tpu.memory_space<vmem>>[vector<16xi32>], vector<16xf32>,
        %max3A_281 = arith.maximumf %max3A_276, %gather3A_280 : vector<16xf32>
        %add3A_282 = arith.constant 9 : i32
        %add3A_283 = vector.broadcast %add3A_282 : i32 to vector<16xi32>
        %add3A_284 = arith.addi %add3A_240, %add3A_283 : vector<16xi32>
        %gather3A_285 = tpu.vector_load_idx %arg6[%add3A_284] : memref<5120xf32, #tpu.memory_space<vmem>>[vector<16xi32>], vector<16xf32>,
        %max3A_286 = arith.maximumf %max3A_281, %gather3A_285 : vector<16xf32>
        %add3A_287 = arith.constant 10 : i32
        %add3A_288 = vector.broadcast %add3A_287 : i32 to vector<16xi32>
        %add3A_289 = arith.addi %add3A_240, %add3A_288 : vector<16xi32>
        %gather3A_290 = tpu.vector_load_idx %arg6[%add3A_289] : memref<5120xf32, #tpu.memory_space<vmem>>[vector<16xi32>], vector<16xf32>,
        %max3A_291 = arith.maximumf %max3A_286, %gather3A_290 : vector<16xf32>
        %add3A_292 = arith.constant 11 : i32
        %add3A_293 = vector.broadcast %add3A_292 : i32 to vector<16xi32>
        %add3A_294 = arith.addi %add3A_240, %add3A_293 : vector<16xi32>
        %gather3A_295 = tpu.vector_load_idx %arg6[%add3A_294] : memref<5120xf32, #tpu.memory_space<vmem>>[vector<16xi32>], vector<16xf32>,
        %max3A_296 = arith.maximumf %max3A_291, %gather3A_295 : vector<16xf32>
        %add3A_297 = arith.constant 12 : i32
        %add3A_298 = vector.broadcast %add3A_297 : i32 to vector<16xi32>
        %add3A_299 = arith.addi %add3A_240, %add3A_298 : vector<16xi32>
        %gather3A_300 = tpu.vector_load_idx %arg6[%add3A_299] : memref<5120xf32, #tpu.memory_space<vmem>>[vector<16xi32>], vector<16xf32>,
        %max3A_301 = arith.maximumf %max3A_296, %gather3A_300 : vector<16xf32>
        %add3A_302 = arith.constant 13 : i32
        %add3A_303 = vector.broadcast %add3A_302 : i32 to vector<16xi32>
        %add3A_304 = arith.addi %add3A_240, %add3A_303 : vector<16xi32>
        %gather3A_305 = tpu.vector_load_idx %arg6[%add3A_304] : memref<5120xf32, #tpu.memory_space<vmem>>[vector<16xi32>], vector<16xf32>,
        %max3A_306 = arith.maximumf %max3A_301, %gather3A_305 : vector<16xf32>
        %add3A_307 = arith.constant 14 : i32
        %add3A_308 = vector.broadcast %add3A_307 : i32 to vector<16xi32>
        %add3A_309 = arith.addi %add3A_240, %add3A_308 : vector<16xi32>
        %gather3A_310 = tpu.vector_load_idx %arg6[%add3A_309] : memref<5120xf32, #tpu.memory_space<vmem>>[vector<16xi32>], vector<16xf32>,
        %max3A_311 = arith.maximumf %max3A_306, %gather3A_310 : vector<16xf32>
        %add3A_312 = arith.constant 15 : i32
        %add3A_313 = vector.broadcast %add3A_312 : i32 to vector<16xi32>
        %add3A_314 = arith.addi %add3A_240, %add3A_313 : vector<16xi32>
        %gather3A_315 = tpu.vector_load_idx %arg6[%add3A_314] : memref<5120xf32, #tpu.memory_space<vmem>>[vector<16xi32>], vector<16xf32>,
        %max3A_316 = arith.maximumf %max3A_311, %gather3A_315 : vector<16xf32>
        %mul3A_317 = arith.constant 16 : i32
        %mul3A_318 = arith.muli %scan3A_232, %mul3A_317 : i32
        %multiple_of3A = tpu.assume_multiple %mul3A_318, 16 : i32
        %swap3A_319 = arith.index_cast %multiple_of3A : i32 to index
        %swap3A_320 = tpu.vector_load %arg8[%swap3A_319] {strides = array<i32>} : memref<512xf32, #tpu.memory_space<vmem>>, vector<16xf32>,
        tpu.vector_store %arg8[%swap3A_319], %max3A_316 {strides = array<i32>} : memref<512xf32, #tpu.memory_space<vmem>>, vector<16xf32>,
        %scan3A_321 = arith.constant 0 : i32
        scf.yield %scan3A_321 : i32
      }
      %scan3A_36 = arith.constant 20 : i32
      %swap3A_37 = arith.constant 320 : index
      %swap3A_38 = tpu.vector_load %arg8[%swap3A_37] {strides = array<i32>} : memref<512xf32, #tpu.memory_space<vmem>>, vector<16xf32>,
      tpu.vector_store %arg8[%swap3A_37], %broadcast_in_dim3A_12 {strides = array<i32>} : memref<512xf32, #tpu.memory_space<vmem>>, vector<16xf32>,
      %swap3A_39 = arith.constant 336 : index
      %swap3A_40 = tpu.vector_load %arg8[%swap3A_39] {strides = array<i32>} : memref<512xf32, #tpu.memory_space<vmem>>, vector<16xf32>,
      tpu.vector_store %arg8[%swap3A_39], %broadcast_in_dim3A_12 {strides = array<i32>} : memref<512xf32, #tpu.memory_space<vmem>>, vector<16xf32>,
      %swap3A_41 = arith.constant 352 : index
      %swap3A_42 = tpu.vector_load %arg8[%swap3A_41] {strides = array<i32>} : memref<512xf32, #tpu.memory_space<vmem>>, vector<16xf32>,
      tpu.vector_store %arg8[%swap3A_41], %broadcast_in_dim3A_12 {strides = array<i32>} : memref<512xf32, #tpu.memory_space<vmem>>, vector<16xf32>,
      %swap3A_43 = arith.constant 368 : index
      %swap3A_44 = tpu.vector_load %arg8[%swap3A_43] {strides = array<i32>} : memref<512xf32, #tpu.memory_space<vmem>>, vector<16xf32>,
      tpu.vector_store %arg8[%swap3A_43], %broadcast_in_dim3A_12 {strides = array<i32>} : memref<512xf32, #tpu.memory_space<vmem>>, vector<16xf32>,
      %swap3A_45 = arith.constant 384 : index
      %swap3A_46 = tpu.vector_load %arg8[%swap3A_45] {strides = array<i32>} : memref<512xf32, #tpu.memory_space<vmem>>, vector<16xf32>,
      tpu.vector_store %arg8[%swap3A_45], %broadcast_in_dim3A_12 {strides = array<i32>} : memref<512xf32, #tpu.memory_space<vmem>>, vector<16xf32>,
      %swap3A_47 = arith.constant 400 : index
      %swap3A_48 = tpu.vector_load %arg8[%swap3A_47] {strides = array<i32>} : memref<512xf32, #tpu.memory_space<vmem>>, vector<16xf32>,
      tpu.vector_store %arg8[%swap3A_47], %broadcast_in_dim3A_12 {strides = array<i32>} : memref<512xf32, #tpu.memory_space<vmem>>, vector<16xf32>,
      %swap3A_49 = arith.constant 416 : index
      %swap3A_50 = tpu.vector_load %arg8[%swap3A_49] {strides = array<i32>} : memref<512xf32, #tpu.memory_space<vmem>>, vector<16xf32>,
      tpu.vector_store %arg8[%swap3A_49], %broadcast_in_dim3A_12 {strides = array<i32>} : memref<512xf32, #tpu.memory_space<vmem>>, vector<16xf32>,
      %swap3A_51 = arith.constant 432 : index
      %swap3A_52 = tpu.vector_load %arg8[%swap3A_51] {strides = array<i32>} : memref<512xf32, #tpu.memory_space<vmem>>, vector<16xf32>,
      tpu.vector_store %arg8[%swap3A_51], %broadcast_in_dim3A_12 {strides = array<i32>} : memref<512xf32, #tpu.memory_space<vmem>>, vector<16xf32>,
      %swap3A_53 = arith.constant 448 : index
      %swap3A_54 = tpu.vector_load %arg8[%swap3A_53] {strides = array<i32>} : memref<512xf32, #tpu.memory_space<vmem>>, vector<16xf32>,
      tpu.vector_store %arg8[%swap3A_53], %broadcast_in_dim3A_12 {strides = array<i32>} : memref<512xf32, #tpu.memory_space<vmem>>, vector<16xf32>,
      %swap3A_55 = arith.constant 464 : index
      %swap3A_56 = tpu.vector_load %arg8[%swap3A_55] {strides = array<i32>} : memref<512xf32, #tpu.memory_space<vmem>>, vector<16xf32>,
      tpu.vector_store %arg8[%swap3A_55], %broadcast_in_dim3A_12 {strides = array<i32>} : memref<512xf32, #tpu.memory_space<vmem>>, vector<16xf32>,
      %swap3A_57 = arith.constant 480 : index
      %swap3A_58 = tpu.vector_load %arg8[%swap3A_57] {strides = array<i32>} : memref<512xf32, #tpu.memory_space<vmem>>, vector<16xf32>,
      tpu.vector_store %arg8[%swap3A_57], %broadcast_in_dim3A_12 {strides = array<i32>} : memref<512xf32, #tpu.memory_space<vmem>>, vector<16xf32>,
      %swap3A_59 = arith.constant 496 : index
      %swap3A_60 = tpu.vector_load %arg8[%swap3A_59] {strides = array<i32>} : memref<512xf32, #tpu.memory_space<vmem>>, vector<16xf32>,
      tpu.vector_store %arg8[%swap3A_59], %broadcast_in_dim3A_12 {strides = array<i32>} : memref<512xf32, #tpu.memory_space<vmem>>, vector<16xf32>,
      %broadcast_in_dim3A_61 = arith.constant 0 : i32
      %broadcast_in_dim3A_62 = vector.broadcast %broadcast_in_dim3A_61 : i32 to vector<16xi32>
      %mul3A = arith.constant 16 : i32
      %mul3A_63 = vector.broadcast %mul3A : i32 to vector<16xi32>
      %mul3A_64 = arith.muli %iota3A, %mul3A_63 : vector<16xi32>
      %add3A = arith.addi %broadcast_in_dim3A_62, %mul3A_64 : vector<16xi32>
      %gather3A = tpu.vector_load_idx %arg8[%add3A] : memref<512xf32, #tpu.memory_space<vmem>>[vector<16xi32>], vector<16xf32>,
      %add3A_65 = arith.constant 1 : i32
      %add3A_66 = vector.broadcast %add3A_65 : i32 to vector<16xi32>
      %add3A_67 = arith.addi %add3A, %add3A_66 : vector<16xi32>
      %gather3A_68 = tpu.vector_load_idx %arg8[%add3A_67] : memref<512xf32, #tpu.memory_space<vmem>>[vector<16xi32>], vector<16xf32>,
      %max3A = arith.maximumf %gather3A, %gather3A_68 : vector<16xf32>
      %add3A_69 = arith.constant 2 : i32
      %add3A_70 = vector.broadcast %add3A_69 : i32 to vector<16xi32>
      %add3A_71 = arith.addi %add3A, %add3A_70 : vector<16xi32>
      %gather3A_72 = tpu.vector_load_idx %arg8[%add3A_71] : memref<512xf32, #tpu.memory_space<vmem>>[vector<16xi32>], vector<16xf32>,
      %max3A_73 = arith.maximumf %max3A, %gather3A_72 : vector<16xf32>
      %add3A_74 = arith.constant 3 : i32
      %add3A_75 = vector.broadcast %add3A_74 : i32 to vector<16xi32>
      %add3A_76 = arith.addi %add3A, %add3A_75 : vector<16xi32>
      %gather3A_77 = tpu.vector_load_idx %arg8[%add3A_76] : memref<512xf32, #tpu.memory_space<vmem>>[vector<16xi32>], vector<16xf32>,
      %max3A_78 = arith.maximumf %max3A_73, %gather3A_77 : vector<16xf32>
      %add3A_79 = arith.constant 4 : i32
      %add3A_80 = vector.broadcast %add3A_79 : i32 to vector<16xi32>
      %add3A_81 = arith.addi %add3A, %add3A_80 : vector<16xi32>
      %gather3A_82 = tpu.vector_load_idx %arg8[%add3A_81] : memref<512xf32, #tpu.memory_space<vmem>>[vector<16xi32>], vector<16xf32>,
      %max3A_83 = arith.maximumf %max3A_78, %gather3A_82 : vector<16xf32>
      %add3A_84 = arith.constant 5 : i32
      %add3A_85 = vector.broadcast %add3A_84 : i32 to vector<16xi32>
      %add3A_86 = arith.addi %add3A, %add3A_85 : vector<16xi32>
      %gather3A_87 = tpu.vector_load_idx %arg8[%add3A_86] : memref<512xf32, #tpu.memory_space<vmem>>[vector<16xi32>], vector<16xf32>,
      %max3A_88 = arith.maximumf %max3A_83, %gather3A_87 : vector<16xf32>
      %add3A_89 = arith.constant 6 : i32
      %add3A_90 = vector.broadcast %add3A_89 : i32 to vector<16xi32>
      %add3A_91 = arith.addi %add3A, %add3A_90 : vector<16xi32>
      %gather3A_92 = tpu.vector_load_idx %arg8[%add3A_91] : memref<512xf32, #tpu.memory_space<vmem>>[vector<16xi32>], vector<16xf32>,
      %max3A_93 = arith.maximumf %max3A_88, %gather3A_92 : vector<16xf32>
      %add3A_94 = arith.constant 7 : i32
      %add3A_95 = vector.broadcast %add3A_94 : i32 to vector<16xi32>
      %add3A_96 = arith.addi %add3A, %add3A_95 : vector<16xi32>
      %gather3A_97 = tpu.vector_load_idx %arg8[%add3A_96] : memref<512xf32, #tpu.memory_space<vmem>>[vector<16xi32>], vector<16xf32>,
      %max3A_98 = arith.maximumf %max3A_93, %gather3A_97 : vector<16xf32>
      %add3A_99 = arith.constant 8 : i32
      %add3A_100 = vector.broadcast %add3A_99 : i32 to vector<16xi32>
      %add3A_101 = arith.addi %add3A, %add3A_100 : vector<16xi32>
      %gather3A_102 = tpu.vector_load_idx %arg8[%add3A_101] : memref<512xf32, #tpu.memory_space<vmem>>[vector<16xi32>], vector<16xf32>,
      %max3A_103 = arith.maximumf %max3A_98, %gather3A_102 : vector<16xf32>
      %add3A_104 = arith.constant 9 : i32
      %add3A_105 = vector.broadcast %add3A_104 : i32 to vector<16xi32>
      %add3A_106 = arith.addi %add3A, %add3A_105 : vector<16xi32>
      %gather3A_107 = tpu.vector_load_idx %arg8[%add3A_106] : memref<512xf32, #tpu.memory_space<vmem>>[vector<16xi32>], vector<16xf32>,
      %max3A_108 = arith.maximumf %max3A_103, %gather3A_107 : vector<16xf32>
      %add3A_109 = arith.constant 10 : i32
      %add3A_110 = vector.broadcast %add3A_109 : i32 to vector<16xi32>
      %add3A_111 = arith.addi %add3A, %add3A_110 : vector<16xi32>
      %gather3A_112 = tpu.vector_load_idx %arg8[%add3A_111] : memref<512xf32, #tpu.memory_space<vmem>>[vector<16xi32>], vector<16xf32>,
      %max3A_113 = arith.maximumf %max3A_108, %gather3A_112 : vector<16xf32>
      %add3A_114 = arith.constant 11 : i32
      %add3A_115 = vector.broadcast %add3A_114 : i32 to vector<16xi32>
      %add3A_116 = arith.addi %add3A, %add3A_115 : vector<16xi32>
      %gather3A_117 = tpu.vector_load_idx %arg8[%add3A_116] : memref<512xf32, #tpu.memory_space<vmem>>[vector<16xi32>], vector<16xf32>,
      %max3A_118 = arith.maximumf %max3A_113, %gather3A_117 : vector<16xf32>
      %add3A_119 = arith.constant 12 : i32
      %add3A_120 = vector.broadcast %add3A_119 : i32 to vector<16xi32>
      %add3A_121 = arith.addi %add3A, %add3A_120 : vector<16xi32>
      %gather3A_122 = tpu.vector_load_idx %arg8[%add3A_121] : memref<512xf32, #tpu.memory_space<vmem>>[vector<16xi32>], vector<16xf32>,
      %max3A_123 = arith.maximumf %max3A_118, %gather3A_122 : vector<16xf32>
      %add3A_124 = arith.constant 13 : i32
      %add3A_125 = vector.broadcast %add3A_124 : i32 to vector<16xi32>
      %add3A_126 = arith.addi %add3A, %add3A_125 : vector<16xi32>
      %gather3A_127 = tpu.vector_load_idx %arg8[%add3A_126] : memref<512xf32, #tpu.memory_space<vmem>>[vector<16xi32>], vector<16xf32>,
      %max3A_128 = arith.maximumf %max3A_123, %gather3A_127 : vector<16xf32>
      %add3A_129 = arith.constant 14 : i32
      %add3A_130 = vector.broadcast %add3A_129 : i32 to vector<16xi32>
      %add3A_131 = arith.addi %add3A, %add3A_130 : vector<16xi32>
      %gather3A_132 = tpu.vector_load_idx %arg8[%add3A_131] : memref<512xf32, #tpu.memory_space<vmem>>[vector<16xi32>], vector<16xf32>,
      %max3A_133 = arith.maximumf %max3A_128, %gather3A_132 : vector<16xf32>
      %add3A_134 = arith.constant 15 : i32
      %add3A_135 = vector.broadcast %add3A_134 : i32 to vector<16xi32>
      %add3A_136 = arith.addi %add3A, %add3A_135 : vector<16xi32>
      %gather3A_137 = tpu.vector_load_idx %arg8[%add3A_136] : memref<512xf32, #tpu.memory_space<vmem>>[vector<16xi32>], vector<16xf32>,
      %max3A_138 = arith.maximumf %max3A_133, %gather3A_137 : vector<16xf32>
      %swap3A_139 = arith.constant 0 : index
      %swap3A_140 = tpu.vector_load %arg9[%swap3A_139] {strides = array<i32>} : memref<32xf32, #tpu.memory_space<vmem>>, vector<16xf32>,
      tpu.vector_store %arg9[%swap3A_139], %max3A_138 {strides = array<i32>} : memref<32xf32, #tpu.memory_space<vmem>>, vector<16xf32>,
      %broadcast_in_dim3A_141 = arith.constant 256 : i32
      %broadcast_in_dim3A_142 = vector.broadcast %broadcast_in_dim3A_141 : i32 to vector<16xi32>
      %mul3A_143 = arith.constant 16 : i32
      %mul3A_144 = vector.broadcast %mul3A_143 : i32 to vector<16xi32>
      %mul3A_145 = arith.muli %iota3A, %mul3A_144 : vector<16xi32>
      %add3A_146 = arith.addi %broadcast_in_dim3A_142, %mul3A_145 : vector<16xi32>
      %gather3A_147 = tpu.vector_load_idx %arg8[%add3A_146] : memref<512xf32, #tpu.memory_space<vmem>>[vector<16xi32>], vector<16xf32>,
      %add3A_148 = arith.constant 1 : i32
      %add3A_149 = vector.broadcast %add3A_148 : i32 to vector<16xi32>
      %add3A_150 = arith.addi %add3A_146, %add3A_149 : vector<16xi32>
      %gather3A_151 = tpu.vector_load_idx %arg8[%add3A_150] : memref<512xf32, #tpu.memory_space<vmem>>[vector<16xi32>], vector<16xf32>,
      %max3A_152 = arith.maximumf %gather3A_147, %gather3A_151 : vector<16xf32>
      %add3A_153 = arith.constant 2 : i32
      %add3A_154 = vector.broadcast %add3A_153 : i32 to vector<16xi32>
      %add3A_155 = arith.addi %add3A_146, %add3A_154 : vector<16xi32>
      %gather3A_156 = tpu.vector_load_idx %arg8[%add3A_155] : memref<512xf32, #tpu.memory_space<vmem>>[vector<16xi32>], vector<16xf32>,
      %max3A_157 = arith.maximumf %max3A_152, %gather3A_156 : vector<16xf32>
      %add3A_158 = arith.constant 3 : i32
      %add3A_159 = vector.broadcast %add3A_158 : i32 to vector<16xi32>
      %add3A_160 = arith.addi %add3A_146, %add3A_159 : vector<16xi32>
      %gather3A_161 = tpu.vector_load_idx %arg8[%add3A_160] : memref<512xf32, #tpu.memory_space<vmem>>[vector<16xi32>], vector<16xf32>,
      %max3A_162 = arith.maximumf %max3A_157, %gather3A_161 : vector<16xf32>
      %add3A_163 = arith.constant 4 : i32
      %add3A_164 = vector.broadcast %add3A_163 : i32 to vector<16xi32>
      %add3A_165 = arith.addi %add3A_146, %add3A_164 : vector<16xi32>
      %gather3A_166 = tpu.vector_load_idx %arg8[%add3A_165] : memref<512xf32, #tpu.memory_space<vmem>>[vector<16xi32>], vector<16xf32>,
      %max3A_167 = arith.maximumf %max3A_162, %gather3A_166 : vector<16xf32>
      %add3A_168 = arith.constant 5 : i32
      %add3A_169 = vector.broadcast %add3A_168 : i32 to vector<16xi32>
      %add3A_170 = arith.addi %add3A_146, %add3A_169 : vector<16xi32>
      %gather3A_171 = tpu.vector_load_idx %arg8[%add3A_170] : memref<512xf32, #tpu.memory_space<vmem>>[vector<16xi32>], vector<16xf32>,
      %max3A_172 = arith.maximumf %max3A_167, %gather3A_171 : vector<16xf32>
      %add3A_173 = arith.constant 6 : i32
      %add3A_174 = vector.broadcast %add3A_173 : i32 to vector<16xi32>
      %add3A_175 = arith.addi %add3A_146, %add3A_174 : vector<16xi32>
      %gather3A_176 = tpu.vector_load_idx %arg8[%add3A_175] : memref<512xf32, #tpu.memory_space<vmem>>[vector<16xi32>], vector<16xf32>,
      %max3A_177 = arith.maximumf %max3A_172, %gather3A_176 : vector<16xf32>
      %add3A_178 = arith.constant 7 : i32
      %add3A_179 = vector.broadcast %add3A_178 : i32 to vector<16xi32>
      %add3A_180 = arith.addi %add3A_146, %add3A_179 : vector<16xi32>
      %gather3A_181 = tpu.vector_load_idx %arg8[%add3A_180] : memref<512xf32, #tpu.memory_space<vmem>>[vector<16xi32>], vector<16xf32>,
      %max3A_182 = arith.maximumf %max3A_177, %gather3A_181 : vector<16xf32>
      %add3A_183 = arith.constant 8 : i32
      %add3A_184 = vector.broadcast %add3A_183 : i32 to vector<16xi32>
      %add3A_185 = arith.addi %add3A_146, %add3A_184 : vector<16xi32>
      %gather3A_186 = tpu.vector_load_idx %arg8[%add3A_185] : memref<512xf32, #tpu.memory_space<vmem>>[vector<16xi32>], vector<16xf32>,
      %max3A_187 = arith.maximumf %max3A_182, %gather3A_186 : vector<16xf32>
      %add3A_188 = arith.constant 9 : i32
      %add3A_189 = vector.broadcast %add3A_188 : i32 to vector<16xi32>
      %add3A_190 = arith.addi %add3A_146, %add3A_189 : vector<16xi32>
      %gather3A_191 = tpu.vector_load_idx %arg8[%add3A_190] : memref<512xf32, #tpu.memory_space<vmem>>[vector<16xi32>], vector<16xf32>,
      %max3A_192 = arith.maximumf %max3A_187, %gather3A_191 : vector<16xf32>
      %add3A_193 = arith.constant 10 : i32
      %add3A_194 = vector.broadcast %add3A_193 : i32 to vector<16xi32>
      %add3A_195 = arith.addi %add3A_146, %add3A_194 : vector<16xi32>
      %gather3A_196 = tpu.vector_load_idx %arg8[%add3A_195] : memref<512xf32, #tpu.memory_space<vmem>>[vector<16xi32>], vector<16xf32>,
      %max3A_197 = arith.maximumf %max3A_192, %gather3A_196 : vector<16xf32>
      %add3A_198 = arith.constant 11 : i32
      %add3A_199 = vector.broadcast %add3A_198 : i32 to vector<16xi32>
      %add3A_200 = arith.addi %add3A_146, %add3A_199 : vector<16xi32>
      %gather3A_201 = tpu.vector_load_idx %arg8[%add3A_200] : memref<512xf32, #tpu.memory_space<vmem>>[vector<16xi32>], vector<16xf32>,
      %max3A_202 = arith.maximumf %max3A_197, %gather3A_201 : vector<16xf32>
      %add3A_203 = arith.constant 12 : i32
      %add3A_204 = vector.broadcast %add3A_203 : i32 to vector<16xi32>
      %add3A_205 = arith.addi %add3A_146, %add3A_204 : vector<16xi32>
      %gather3A_206 = tpu.vector_load_idx %arg8[%add3A_205] : memref<512xf32, #tpu.memory_space<vmem>>[vector<16xi32>], vector<16xf32>,
      %max3A_207 = arith.maximumf %max3A_202, %gather3A_206 : vector<16xf32>
      %add3A_208 = arith.constant 13 : i32
      %add3A_209 = vector.broadcast %add3A_208 : i32 to vector<16xi32>
      %add3A_210 = arith.addi %add3A_146, %add3A_209 : vector<16xi32>
      %gather3A_211 = tpu.vector_load_idx %arg8[%add3A_210] : memref<512xf32, #tpu.memory_space<vmem>>[vector<16xi32>], vector<16xf32>,
      %max3A_212 = arith.maximumf %max3A_207, %gather3A_211 : vector<16xf32>
      %add3A_213 = arith.constant 14 : i32
      %add3A_214 = vector.broadcast %add3A_213 : i32 to vector<16xi32>
      %add3A_215 = arith.addi %add3A_146, %add3A_214 : vector<16xi32>
      %gather3A_216 = tpu.vector_load_idx %arg8[%add3A_215] : memref<512xf32, #tpu.memory_space<vmem>>[vector<16xi32>], vector<16xf32>,
      %max3A_217 = arith.maximumf %max3A_212, %gather3A_216 : vector<16xf32>
      %add3A_218 = arith.constant 15 : i32
      %add3A_219 = vector.broadcast %add3A_218 : i32 to vector<16xi32>
      %add3A_220 = arith.addi %add3A_146, %add3A_219 : vector<16xi32>
      %gather3A_221 = tpu.vector_load_idx %arg8[%add3A_220] : memref<512xf32, #tpu.memory_space<vmem>>[vector<16xi32>], vector<16xf32>,
      %max3A_222 = arith.maximumf %max3A_217, %gather3A_221 : vector<16xf32>
      %swap3A_223 = arith.constant 16 : index
      %swap3A_224 = tpu.vector_load %arg9[%swap3A_223] {strides = array<i32>} : memref<32xf32, #tpu.memory_space<vmem>>, vector<16xf32>,
      tpu.vector_store %arg9[%swap3A_223], %max3A_222 {strides = array<i32>} : memref<32xf32, #tpu.memory_space<vmem>>, vector<16xf32>,
      %while3A = arith.constant 0 : i32
      %while3A_225 = arith.constant 0 : i32
      %while3A_226 = arith.constant 0 : i32
      %while3A_227:3 = scf.while (%while3A_232 = %while3A, %while3A_233 = %while3A_225, %while3A_234 = %while3A_226) : (i32, i32, i32) -> (i32, i32, i32) {
        %lt3A_235 = arith.constant 100 : i32
        %lt3A_236 = arith.cmpi slt, %while3A_232, %lt3A_235 : i32
        %eq3A_237 = arith.constant 0 : i32
        %eq3A_238 = arith.cmpi eq, %while3A_234, %eq3A_237 : i32
        %and3A_239 = arith.andi %lt3A_236, %eq3A_238 : i1
        scf.condition(%and3A_239) %while3A_232, %while3A_233, %while3A_234 : i32, i32, i32
      } do {
      ^bb0(%while3A_232: i32, %while3A_233: i32, %while3A_234: i32):
        %get3A_235 = arith.constant 0 : index
        %get3A_236 = tpu.vector_load %arg9[%get3A_235] {strides = array<i32>} : memref<32xf32, #tpu.memory_space<vmem>>, vector<16xf32>,
        %get3A_237 = arith.constant 16 : index
        %get3A_238 = tpu.vector_load %arg9[%get3A_237] {strides = array<i32>} : memref<32xf32, #tpu.memory_space<vmem>>, vector<16xf32>,
        %max3A_239 = arith.maximumf %get3A_236, %get3A_238 : vector<16xf32>
        %reduce_max3A = arith.constant true
        %reduce_max3A_240 = vector.broadcast %reduce_max3A : i1 to vector<16xi1>
        %reduce_max3A_241 = tpu.scan <max>, %max3A_239 masked %reduce_max3A_240 : vector<16xf32>, vector<16xi1> -> vector<16xf32>
        %reduce_max3A_242 = vector.extract %reduce_max3A_241[15] : f32 from vector<16xf32>
        %lt3A_243 = arith.constant 5.000000e-02 : f32
        %lt3A_244 = arith.cmpf olt, %reduce_max3A_242, %lt3A_243 : f32
        %convert_element_type3A_245 = arith.extui %lt3A_244 : i1 to i32
        %eq3A_246 = vector.broadcast %reduce_max3A_242 : f32 to vector<16xf32>
        %eq3A_247 = arith.cmpf oeq, %get3A_236, %eq3A_246 : vector<16xf32>
        %all_reduce_ffs3A = tpu.all_reduce %eq3A_247 {dim = 0 : i64, kind = #tpu.reduction_kind<find_first_set>} : vector<16xi1> -> vector<16xi32>
        %slice3A = vector.extract_strided_slice %all_reduce_ffs3A {offsets = [0], sizes = [1], strides = [1]} : vector<16xi32> to vector<1xi32>
        %squeeze3A = vector.extract %slice3A[0] : i32 from vector<1xi32>
        %eq3A_248 = vector.broadcast %reduce_max3A_242 : f32 to vector<16xf32>
        %eq3A_249 = arith.cmpf oeq, %get3A_238, %eq3A_248 : vector<16xf32>
        %all_reduce_ffs3A_250 = tpu.all_reduce %eq3A_249 {dim = 0 : i64, kind = #tpu.reduction_kind<find_first_set>} : vector<16xi1> -> vector<16xi32>
        %slice3A_251 = vector.extract_strided_slice %all_reduce_ffs3A_250 {offsets = [0], sizes = [1], strides = [1]} : vector<16xi32> to vector<1xi32>
        %squeeze3A_252 = vector.extract %slice3A_251[0] : i32 from vector<1xi32>
        %eq3A_253 = vector.broadcast %reduce_max3A_242 : f32 to vector<16xf32>
        %eq3A_254 = arith.cmpf oeq, %get3A_236, %eq3A_253 : vector<16xf32>
        %all_reduce_population_count3A = tpu.all_reduce %eq3A_254 {dim = 0 : i64, kind = #tpu.reduction_kind<sum>} : vector<16xi1> -> vector<16xi32>
        %slice3A_255 = vector.extract_strided_slice %all_reduce_population_count3A {offsets = [0], sizes = [1], strides = [1]} : vector<16xi32> to vector<1xi32>
        %squeeze3A_256 = vector.extract %slice3A_255[0] : i32 from vector<1xi32>
        %gt3A = arith.constant 0 : i32
        %gt3A_257 = arith.cmpi sgt, %squeeze3A_256, %gt3A : i32
        %add3A_258 = arith.constant 16 : i32
        %add3A_259 = arith.addi %add3A_258, %squeeze3A_252 : i32
        %select_n3A_260 = arith.select %gt3A_257, %squeeze3A, %add3A_259 : i32
        %mul3A_261 = arith.constant 16 : i32
        %mul3A_262 = arith.muli %select_n3A_260, %mul3A_261 : i32
        %multiple_of3A = tpu.assume_multiple %mul3A_262, 16 : i32
        %get3A_263 = arith.index_cast %multiple_of3A : i32 to index
        %get3A_264 = tpu.vector_load %arg8[%get3A_263] {strides = array<i32>} : memref<512xf32, #tpu.memory_space<vmem>>, vector<16xf32>,
        %mul3A_265 = arith.constant 16 : i32
        %mul3A_266 = arith.muli %select_n3A_260, %mul3A_265 : i32
        %eq3A_267 = vector.broadcast %reduce_max3A_242 : f32 to vector<16xf32>
        %eq3A_268 = arith.cmpf oeq, %get3A_264, %eq3A_267 : vector<16xf32>
        %all_reduce_ffs3A_269 = tpu.all_reduce %eq3A_268 {dim = 0 : i64, kind = #tpu.reduction_kind<find_first_set>} : vector<16xi1> -> vector<16xi32>
        %slice3A_270 = vector.extract_strided_slice %all_reduce_ffs3A_269 {offsets = [0], sizes = [1], strides = [1]} : vector<16xi32> to vector<1xi32>
        %squeeze3A_271 = vector.extract %slice3A_270[0] : i32 from vector<1xi32>
        %add3A_272 = arith.addi %mul3A_266, %squeeze3A_271 : i32
        %mul3A_273 = arith.constant 16 : i32
        %mul3A_274 = arith.muli %add3A_272, %mul3A_273 : i32
        %multiple_of3A_275 = tpu.assume_multiple %mul3A_274, 16 : i32
        %get3A_276 = arith.index_cast %multiple_of3A_275 : i32 to index
        %get3A_277 = tpu.vector_load %arg6[%get3A_276] {strides = array<i32>} : memref<5120xf32, #tpu.memory_space<vmem>>, vector<16xf32>,
        %mul3A_278 = arith.constant 16 : i32
        %mul3A_279 = arith.muli %add3A_272, %mul3A_278 : i32
        %eq3A_280 = vector.broadcast %reduce_max3A_242 : f32 to vector<16xf32>
        %eq3A_281 = arith.cmpf oeq, %get3A_277, %eq3A_280 : vector<16xf32>
        %all_reduce_ffs3A_282 = tpu.all_reduce %eq3A_281 {dim = 0 : i64, kind = #tpu.reduction_kind<find_first_set>} : vector<16xi1> -> vector<16xi32>
        %slice3A_283 = vector.extract_strided_slice %all_reduce_ffs3A_282 {offsets = [0], sizes = [1], strides = [1]} : vector<16xi32> to vector<1xi32>
        %squeeze3A_284 = vector.extract %slice3A_283[0] : i32 from vector<1xi32>
        %add3A_285 = arith.addi %mul3A_279, %squeeze3A_284 : i32
        %broadcast_in_dim3A_286 = vector.broadcast %add3A_285 : i32 to vector<16xi32>
        %broadcast_in_dim3A_287 = arith.constant 0xFF800000 : f32
        %broadcast_in_dim3A_288 = vector.broadcast %broadcast_in_dim3A_287 : f32 to vector<16xf32>
        tpu.vector_store_idx %arg6[%broadcast_in_dim3A_286], %broadcast_in_dim3A_288 : memref<5120xf32, #tpu.memory_space<vmem>>[vector<16xi32>], vector<16xf32>,
        %get3A_289 = arith.index_cast %multiple_of3A_275 : i32 to index
        %get3A_290 = tpu.vector_load %arg6[%get3A_289] {strides = array<i32>} : memref<5120xf32, #tpu.memory_space<vmem>>, vector<16xf32>,
        %reduce_max3A_291 = arith.constant true
        %reduce_max3A_292 = vector.broadcast %reduce_max3A_291 : i1 to vector<16xi1>
        %reduce_max3A_293 = tpu.scan <max>, %get3A_290 masked %reduce_max3A_292 : vector<16xf32>, vector<16xi1> -> vector<16xf32>
        %reduce_max3A_294 = vector.extract %reduce_max3A_293[15] : f32 from vector<16xf32>
        %broadcast_in_dim3A_295 = vector.broadcast %add3A_272 : i32 to vector<16xi32>
        %broadcast_in_dim3A_296 = vector.broadcast %reduce_max3A_294 : f32 to vector<16xf32>
        tpu.vector_store_idx %arg8[%broadcast_in_dim3A_295], %broadcast_in_dim3A_296 : memref<512xf32, #tpu.memory_space<vmem>>[vector<16xi32>], vector<16xf32>,
        %mul3A_297 = arith.constant 16 : i32
        %mul3A_298 = arith.muli %select_n3A_260, %mul3A_297 : i32
        %multiple_of3A_299 = tpu.assume_multiple %mul3A_298, 16 : i32
        %get3A_300 = arith.index_cast %multiple_of3A_299 : i32 to index
        %get3A_301 = tpu.vector_load %arg8[%get3A_300] {strides = array<i32>} : memref<512xf32, #tpu.memory_space<vmem>>, vector<16xf32>,
        %reduce_max3A_302 = arith.constant true
        %reduce_max3A_303 = vector.broadcast %reduce_max3A_302 : i1 to vector<16xi1>
        %reduce_max3A_304 = tpu.scan <max>, %get3A_301 masked %reduce_max3A_303 : vector<16xf32>, vector<16xi1> -> vector<16xf32>
        %reduce_max3A_305 = vector.extract %reduce_max3A_304[15] : f32 from vector<16xf32>
        %broadcast_in_dim3A_306 = vector.broadcast %select_n3A_260 : i32 to vector<16xi32>
        %broadcast_in_dim3A_307 = vector.broadcast %reduce_max3A_305 : f32 to vector<16xf32>
        tpu.vector_store_idx %arg9[%broadcast_in_dim3A_306], %broadcast_in_dim3A_307 : memref<32xf32, #tpu.memory_space<vmem>>[vector<16xi32>], vector<16xf32>,
        %mul3A_308 = arith.constant 4 : i32
        %mul3A_309 = arith.muli %add3A_285, %mul3A_308 : i32
        %broadcast_in_dim3A_310 = vector.broadcast %mul3A_309 : i32 to vector<16xi32>
        %and3A_311 = arith.constant 3 : i32
        %and3A_312 = vector.broadcast %and3A_311 : i32 to vector<16xi32>
        %and3A_313 = arith.andi %iota3A, %and3A_312 : vector<16xi32>
        %add3A_314 = arith.addi %broadcast_in_dim3A_310, %and3A_313 : vector<16xi32>
        %gather3A_315 = tpu.vector_load_idx %arg5[%add3A_314] : memref<20000xf32, #tpu.memory_space<vmem>>[vector<16xi32>], vector<16xf32>,
        %slice3A_316 = vector.extract_strided_slice %gather3A_315 {offsets = [0], sizes = [1], strides = [1]} : vector<16xf32> to vector<1xf32>
        %squeeze3A_317 = vector.extract %slice3A_316[0] : f32 from vector<1xf32>
        %slice3A_318 = vector.extract_strided_slice %gather3A_315 {offsets = [1], sizes = [1], strides = [1]} : vector<16xf32> to vector<1xf32>
        %squeeze3A_319 = vector.extract %slice3A_318[0] : f32 from vector<1xf32>
        %slice3A_320 = vector.extract_strided_slice %gather3A_315 {offsets = [2], sizes = [1], strides = [1]} : vector<16xf32> to vector<1xf32>
        %squeeze3A_321 = vector.extract %slice3A_320[0] : f32 from vector<1xf32>
        %slice3A_322 = vector.extract_strided_slice %gather3A_315 {offsets = [3], sizes = [1], strides = [1]} : vector<16xf32> to vector<1xf32>
        %squeeze3A_323 = vector.extract %slice3A_322[0] : f32 from vector<1xf32>
        %sub3A = arith.subf %squeeze3A_321, %squeeze3A_317 : f32
        %sub3A_324 = arith.subf %squeeze3A_323, %squeeze3A_319 : f32
        %mul3A_325 = arith.mulf %sub3A, %sub3A_324 : f32
        %broadcast_in_dim3A_326 = arith.constant false
        %broadcast_in_dim3A_327 = vector.broadcast %broadcast_in_dim3A_326 : i1 to vector<16xi1>
        %get3A_328 = arith.constant 0 : index
        %get3A_329 = tpu.vector_load %arg10[%get3A_328] {strides = array<i32>} : memref<112xf32, #tpu.memory_space<vmem>>, vector<16xf32>,
        %get3A_330 = arith.constant 0 : index
        %get3A_331 = tpu.vector_load %arg11[%get3A_330] {strides = array<i32>} : memref<112xf32, #tpu.memory_space<vmem>>, vector<16xf32>,
        %get3A_332 = arith.constant 0 : index
        %get3A_333 = tpu.vector_load %arg12[%get3A_332] {strides = array<i32>} : memref<112xf32, #tpu.memory_space<vmem>>, vector<16xf32>,
        %get3A_334 = arith.constant 0 : index
        %get3A_335 = tpu.vector_load %arg13[%get3A_334] {strides = array<i32>} : memref<112xf32, #tpu.memory_space<vmem>>, vector<16xf32>,
        %get3A_336 = arith.constant 0 : index
        %get3A_337 = tpu.vector_load %arg14[%get3A_336] {strides = array<i32>} : memref<112xf32, #tpu.memory_space<vmem>>, vector<16xf32>,
        %min3A = vector.broadcast %squeeze3A_321 : f32 to vector<16xf32>
        %min3A_338 = arith.minimumf %get3A_333, %min3A : vector<16xf32>
        %max3A_339 = vector.broadcast %squeeze3A_317 : f32 to vector<16xf32>
        %max3A_340 = arith.maximumf %get3A_329, %max3A_339 : vector<16xf32>
        %sub3A_341 = arith.subf %min3A_338, %max3A_340 : vector<16xf32>
        %max3A_342 = arith.constant 0.000000e+00 : f32
        %max3A_343 = vector.broadcast %max3A_342 : f32 to vector<16xf32>
        %max3A_344 = arith.maximumf %sub3A_341, %max3A_343 : vector<16xf32>
        %min3A_345 = vector.broadcast %squeeze3A_323 : f32 to vector<16xf32>
        %min3A_346 = arith.minimumf %get3A_335, %min3A_345 : vector<16xf32>
        %max3A_347 = vector.broadcast %squeeze3A_319 : f32 to vector<16xf32>
        %max3A_348 = arith.maximumf %get3A_331, %max3A_347 : vector<16xf32>
        %sub3A_349 = arith.subf %min3A_346, %max3A_348 : vector<16xf32>
        %max3A_350 = arith.constant 0.000000e+00 : f32
        %max3A_351 = vector.broadcast %max3A_350 : f32 to vector<16xf32>
        %max3A_352 = arith.maximumf %sub3A_349, %max3A_351 : vector<16xf32>
        %mul3A_353 = arith.mulf %max3A_344, %max3A_352 : vector<16xf32>
        %add3A_354 = vector.broadcast %mul3A_325 : f32 to vector<16xf32>
        %add3A_355 = arith.addf %get3A_337, %add3A_354 : vector<16xf32>
        %sub3A_356 = arith.subf %add3A_355, %mul3A_353 : vector<16xf32>
        %add3A_357 = arith.constant 9.99999971E-10 : f32
        %add3A_358 = vector.broadcast %add3A_357 : f32 to vector<16xf32>
        %add3A_359 = arith.addf %sub3A_356, %add3A_358 : vector<16xf32>
        %div3A = arith.divf %mul3A_353, %add3A_359 : vector<16xf32>
        %gt3A_360 = arith.constant 5.000000e-01 : f32
        %gt3A_361 = vector.broadcast %gt3A_360 : f32 to vector<16xf32>
        %gt3A_362 = arith.cmpf ogt, %div3A, %gt3A_361 : vector<16xf32>
        %add3A_363 = arith.constant 0 : i32
        %add3A_364 = vector.broadcast %add3A_363 : i32 to vector<16xi32>
        %add3A_365 = arith.addi %iota3A, %add3A_364 : vector<16xi32>
        %lt3A_366 = vector.broadcast %while3A_232 : i32 to vector<16xi32>
        %lt3A_367 = arith.cmpi slt, %add3A_365, %lt3A_366 : vector<16xi32>
        %and3A_368 = arith.andi %gt3A_362, %lt3A_367 : vector<16xi1>
        %or3A = arith.ori %broadcast_in_dim3A_327, %and3A_368 : vector<16xi1>
        %get3A_369 = arith.constant 16 : index
        %get3A_370 = tpu.vector_load %arg10[%get3A_369] {strides = array<i32>} : memref<112xf32, #tpu.memory_space<vmem>>, vector<16xf32>,
        %get3A_371 = arith.constant 16 : index
        %get3A_372 = tpu.vector_load %arg11[%get3A_371] {strides = array<i32>} : memref<112xf32, #tpu.memory_space<vmem>>, vector<16xf32>,
        %get3A_373 = arith.constant 16 : index
        %get3A_374 = tpu.vector_load %arg12[%get3A_373] {strides = array<i32>} : memref<112xf32, #tpu.memory_space<vmem>>, vector<16xf32>,
        %get3A_375 = arith.constant 16 : index
        %get3A_376 = tpu.vector_load %arg13[%get3A_375] {strides = array<i32>} : memref<112xf32, #tpu.memory_space<vmem>>, vector<16xf32>,
        %get3A_377 = arith.constant 16 : index
        %get3A_378 = tpu.vector_load %arg14[%get3A_377] {strides = array<i32>} : memref<112xf32, #tpu.memory_space<vmem>>, vector<16xf32>,
        %min3A_379 = vector.broadcast %squeeze3A_321 : f32 to vector<16xf32>
        %min3A_380 = arith.minimumf %get3A_374, %min3A_379 : vector<16xf32>
        %max3A_381 = vector.broadcast %squeeze3A_317 : f32 to vector<16xf32>
        %max3A_382 = arith.maximumf %get3A_370, %max3A_381 : vector<16xf32>
        %sub3A_383 = arith.subf %min3A_380, %max3A_382 : vector<16xf32>
        %max3A_384 = arith.constant 0.000000e+00 : f32
        %max3A_385 = vector.broadcast %max3A_384 : f32 to vector<16xf32>
        %max3A_386 = arith.maximumf %sub3A_383, %max3A_385 : vector<16xf32>
        %min3A_387 = vector.broadcast %squeeze3A_323 : f32 to vector<16xf32>
        %min3A_388 = arith.minimumf %get3A_376, %min3A_387 : vector<16xf32>
        %max3A_389 = vector.broadcast %squeeze3A_319 : f32 to vector<16xf32>
        %max3A_390 = arith.maximumf %get3A_372, %max3A_389 : vector<16xf32>
        %sub3A_391 = arith.subf %min3A_388, %max3A_390 : vector<16xf32>
        %max3A_392 = arith.constant 0.000000e+00 : f32
        %max3A_393 = vector.broadcast %max3A_392 : f32 to vector<16xf32>
        %max3A_394 = arith.maximumf %sub3A_391, %max3A_393 : vector<16xf32>
        %mul3A_395 = arith.mulf %max3A_386, %max3A_394 : vector<16xf32>
        %add3A_396 = vector.broadcast %mul3A_325 : f32 to vector<16xf32>
        %add3A_397 = arith.addf %get3A_378, %add3A_396 : vector<16xf32>
        %sub3A_398 = arith.subf %add3A_397, %mul3A_395 : vector<16xf32>
        %add3A_399 = arith.constant 9.99999971E-10 : f32
        %add3A_400 = vector.broadcast %add3A_399 : f32 to vector<16xf32>
        %add3A_401 = arith.addf %sub3A_398, %add3A_400 : vector<16xf32>
        %div3A_402 = arith.divf %mul3A_395, %add3A_401 : vector<16xf32>
        %gt3A_403 = arith.constant 5.000000e-01 : f32
        %gt3A_404 = vector.broadcast %gt3A_403 : f32 to vector<16xf32>
        %gt3A_405 = arith.cmpf ogt, %div3A_402, %gt3A_404 : vector<16xf32>
        %add3A_406 = arith.constant 16 : i32
        %add3A_407 = vector.broadcast %add3A_406 : i32 to vector<16xi32>
        %add3A_408 = arith.addi %iota3A, %add3A_407 : vector<16xi32>
        %lt3A_409 = vector.broadcast %while3A_232 : i32 to vector<16xi32>
        %lt3A_410 = arith.cmpi slt, %add3A_408, %lt3A_409 : vector<16xi32>
        %and3A_411 = arith.andi %gt3A_405, %lt3A_410 : vector<16xi1>
        %or3A_412 = arith.ori %or3A, %and3A_411 : vector<16xi1>
        %get3A_413 = arith.constant 32 : index
        %get3A_414 = tpu.vector_load %arg10[%get3A_413] {strides = array<i32>} : memref<112xf32, #tpu.memory_space<vmem>>, vector<16xf32>,
        %get3A_415 = arith.constant 32 : index
        %get3A_416 = tpu.vector_load %arg11[%get3A_415] {strides = array<i32>} : memref<112xf32, #tpu.memory_space<vmem>>, vector<16xf32>,
        %get3A_417 = arith.constant 32 : index
        %get3A_418 = tpu.vector_load %arg12[%get3A_417] {strides = array<i32>} : memref<112xf32, #tpu.memory_space<vmem>>, vector<16xf32>,
        %get3A_419 = arith.constant 32 : index
        %get3A_420 = tpu.vector_load %arg13[%get3A_419] {strides = array<i32>} : memref<112xf32, #tpu.memory_space<vmem>>, vector<16xf32>,
        %get3A_421 = arith.constant 32 : index
        %get3A_422 = tpu.vector_load %arg14[%get3A_421] {strides = array<i32>} : memref<112xf32, #tpu.memory_space<vmem>>, vector<16xf32>,
        %min3A_423 = vector.broadcast %squeeze3A_321 : f32 to vector<16xf32>
        %min3A_424 = arith.minimumf %get3A_418, %min3A_423 : vector<16xf32>
        %max3A_425 = vector.broadcast %squeeze3A_317 : f32 to vector<16xf32>
        %max3A_426 = arith.maximumf %get3A_414, %max3A_425 : vector<16xf32>
        %sub3A_427 = arith.subf %min3A_424, %max3A_426 : vector<16xf32>
        %max3A_428 = arith.constant 0.000000e+00 : f32
        %max3A_429 = vector.broadcast %max3A_428 : f32 to vector<16xf32>
        %max3A_430 = arith.maximumf %sub3A_427, %max3A_429 : vector<16xf32>
        %min3A_431 = vector.broadcast %squeeze3A_323 : f32 to vector<16xf32>
        %min3A_432 = arith.minimumf %get3A_420, %min3A_431 : vector<16xf32>
        %max3A_433 = vector.broadcast %squeeze3A_319 : f32 to vector<16xf32>
        %max3A_434 = arith.maximumf %get3A_416, %max3A_433 : vector<16xf32>
        %sub3A_435 = arith.subf %min3A_432, %max3A_434 : vector<16xf32>
        %max3A_436 = arith.constant 0.000000e+00 : f32
        %max3A_437 = vector.broadcast %max3A_436 : f32 to vector<16xf32>
        %max3A_438 = arith.maximumf %sub3A_435, %max3A_437 : vector<16xf32>
        %mul3A_439 = arith.mulf %max3A_430, %max3A_438 : vector<16xf32>
        %add3A_440 = vector.broadcast %mul3A_325 : f32 to vector<16xf32>
        %add3A_441 = arith.addf %get3A_422, %add3A_440 : vector<16xf32>
        %sub3A_442 = arith.subf %add3A_441, %mul3A_439 : vector<16xf32>
        %add3A_443 = arith.constant 9.99999971E-10 : f32
        %add3A_444 = vector.broadcast %add3A_443 : f32 to vector<16xf32>
        %add3A_445 = arith.addf %sub3A_442, %add3A_444 : vector<16xf32>
        %div3A_446 = arith.divf %mul3A_439, %add3A_445 : vector<16xf32>
        %gt3A_447 = arith.constant 5.000000e-01 : f32
        %gt3A_448 = vector.broadcast %gt3A_447 : f32 to vector<16xf32>
        %gt3A_449 = arith.cmpf ogt, %div3A_446, %gt3A_448 : vector<16xf32>
        %add3A_450 = arith.constant 32 : i32
        %add3A_451 = vector.broadcast %add3A_450 : i32 to vector<16xi32>
        %add3A_452 = arith.addi %iota3A, %add3A_451 : vector<16xi32>
        %lt3A_453 = vector.broadcast %while3A_232 : i32 to vector<16xi32>
        %lt3A_454 = arith.cmpi slt, %add3A_452, %lt3A_453 : vector<16xi32>
        %and3A_455 = arith.andi %gt3A_449, %lt3A_454 : vector<16xi1>
        %or3A_456 = arith.ori %or3A_412, %and3A_455 : vector<16xi1>
        %get3A_457 = arith.constant 48 : index
        %get3A_458 = tpu.vector_load %arg10[%get3A_457] {strides = array<i32>} : memref<112xf32, #tpu.memory_space<vmem>>, vector<16xf32>,
        %get3A_459 = arith.constant 48 : index
        %get3A_460 = tpu.vector_load %arg11[%get3A_459] {strides = array<i32>} : memref<112xf32, #tpu.memory_space<vmem>>, vector<16xf32>,
        %get3A_461 = arith.constant 48 : index
        %get3A_462 = tpu.vector_load %arg12[%get3A_461] {strides = array<i32>} : memref<112xf32, #tpu.memory_space<vmem>>, vector<16xf32>,
        %get3A_463 = arith.constant 48 : index
        %get3A_464 = tpu.vector_load %arg13[%get3A_463] {strides = array<i32>} : memref<112xf32, #tpu.memory_space<vmem>>, vector<16xf32>,
        %get3A_465 = arith.constant 48 : index
        %get3A_466 = tpu.vector_load %arg14[%get3A_465] {strides = array<i32>} : memref<112xf32, #tpu.memory_space<vmem>>, vector<16xf32>,
        %min3A_467 = vector.broadcast %squeeze3A_321 : f32 to vector<16xf32>
        %min3A_468 = arith.minimumf %get3A_462, %min3A_467 : vector<16xf32>
        %max3A_469 = vector.broadcast %squeeze3A_317 : f32 to vector<16xf32>
        %max3A_470 = arith.maximumf %get3A_458, %max3A_469 : vector<16xf32>
        %sub3A_471 = arith.subf %min3A_468, %max3A_470 : vector<16xf32>
        %max3A_472 = arith.constant 0.000000e+00 : f32
        %max3A_473 = vector.broadcast %max3A_472 : f32 to vector<16xf32>
        %max3A_474 = arith.maximumf %sub3A_471, %max3A_473 : vector<16xf32>
        %min3A_475 = vector.broadcast %squeeze3A_323 : f32 to vector<16xf32>
        %min3A_476 = arith.minimumf %get3A_464, %min3A_475 : vector<16xf32>
        %max3A_477 = vector.broadcast %squeeze3A_319 : f32 to vector<16xf32>
        %max3A_478 = arith.maximumf %get3A_460, %max3A_477 : vector<16xf32>
        %sub3A_479 = arith.subf %min3A_476, %max3A_478 : vector<16xf32>
        %max3A_480 = arith.constant 0.000000e+00 : f32
        %max3A_481 = vector.broadcast %max3A_480 : f32 to vector<16xf32>
        %max3A_482 = arith.maximumf %sub3A_479, %max3A_481 : vector<16xf32>
        %mul3A_483 = arith.mulf %max3A_474, %max3A_482 : vector<16xf32>
        %add3A_484 = vector.broadcast %mul3A_325 : f32 to vector<16xf32>
        %add3A_485 = arith.addf %get3A_466, %add3A_484 : vector<16xf32>
        %sub3A_486 = arith.subf %add3A_485, %mul3A_483 : vector<16xf32>
        %add3A_487 = arith.constant 9.99999971E-10 : f32
        %add3A_488 = vector.broadcast %add3A_487 : f32 to vector<16xf32>
        %add3A_489 = arith.addf %sub3A_486, %add3A_488 : vector<16xf32>
        %div3A_490 = arith.divf %mul3A_483, %add3A_489 : vector<16xf32>
        %gt3A_491 = arith.constant 5.000000e-01 : f32
        %gt3A_492 = vector.broadcast %gt3A_491 : f32 to vector<16xf32>
        %gt3A_493 = arith.cmpf ogt, %div3A_490, %gt3A_492 : vector<16xf32>
        %add3A_494 = arith.constant 48 : i32
        %add3A_495 = vector.broadcast %add3A_494 : i32 to vector<16xi32>
        %add3A_496 = arith.addi %iota3A, %add3A_495 : vector<16xi32>
        %lt3A_497 = vector.broadcast %while3A_232 : i32 to vector<16xi32>
        %lt3A_498 = arith.cmpi slt, %add3A_496, %lt3A_497 : vector<16xi32>
        %and3A_499 = arith.andi %gt3A_493, %lt3A_498 : vector<16xi1>
        %or3A_500 = arith.ori %or3A_456, %and3A_499 : vector<16xi1>
        %get3A_501 = arith.constant 64 : index
        %get3A_502 = tpu.vector_load %arg10[%get3A_501] {strides = array<i32>} : memref<112xf32, #tpu.memory_space<vmem>>, vector<16xf32>,
        %get3A_503 = arith.constant 64 : index
        %get3A_504 = tpu.vector_load %arg11[%get3A_503] {strides = array<i32>} : memref<112xf32, #tpu.memory_space<vmem>>, vector<16xf32>,
        %get3A_505 = arith.constant 64 : index
        %get3A_506 = tpu.vector_load %arg12[%get3A_505] {strides = array<i32>} : memref<112xf32, #tpu.memory_space<vmem>>, vector<16xf32>,
        %get3A_507 = arith.constant 64 : index
        %get3A_508 = tpu.vector_load %arg13[%get3A_507] {strides = array<i32>} : memref<112xf32, #tpu.memory_space<vmem>>, vector<16xf32>,
        %get3A_509 = arith.constant 64 : index
        %get3A_510 = tpu.vector_load %arg14[%get3A_509] {strides = array<i32>} : memref<112xf32, #tpu.memory_space<vmem>>, vector<16xf32>,
        %min3A_511 = vector.broadcast %squeeze3A_321 : f32 to vector<16xf32>
        %min3A_512 = arith.minimumf %get3A_506, %min3A_511 : vector<16xf32>
        %max3A_513 = vector.broadcast %squeeze3A_317 : f32 to vector<16xf32>
        %max3A_514 = arith.maximumf %get3A_502, %max3A_513 : vector<16xf32>
        %sub3A_515 = arith.subf %min3A_512, %max3A_514 : vector<16xf32>
        %max3A_516 = arith.constant 0.000000e+00 : f32
        %max3A_517 = vector.broadcast %max3A_516 : f32 to vector<16xf32>
        %max3A_518 = arith.maximumf %sub3A_515, %max3A_517 : vector<16xf32>
        %min3A_519 = vector.broadcast %squeeze3A_323 : f32 to vector<16xf32>
        %min3A_520 = arith.minimumf %get3A_508, %min3A_519 : vector<16xf32>
        %max3A_521 = vector.broadcast %squeeze3A_319 : f32 to vector<16xf32>
        %max3A_522 = arith.maximumf %get3A_504, %max3A_521 : vector<16xf32>
        %sub3A_523 = arith.subf %min3A_520, %max3A_522 : vector<16xf32>
        %max3A_524 = arith.constant 0.000000e+00 : f32
        %max3A_525 = vector.broadcast %max3A_524 : f32 to vector<16xf32>
        %max3A_526 = arith.maximumf %sub3A_523, %max3A_525 : vector<16xf32>
        %mul3A_527 = arith.mulf %max3A_518, %max3A_526 : vector<16xf32>
        %add3A_528 = vector.broadcast %mul3A_325 : f32 to vector<16xf32>
        %add3A_529 = arith.addf %get3A_510, %add3A_528 : vector<16xf32>
        %sub3A_530 = arith.subf %add3A_529, %mul3A_527 : vector<16xf32>
        %add3A_531 = arith.constant 9.99999971E-10 : f32
        %add3A_532 = vector.broadcast %add3A_531 : f32 to vector<16xf32>
        %add3A_533 = arith.addf %sub3A_530, %add3A_532 : vector<16xf32>
        %div3A_534 = arith.divf %mul3A_527, %add3A_533 : vector<16xf32>
        %gt3A_535 = arith.constant 5.000000e-01 : f32
        %gt3A_536 = vector.broadcast %gt3A_535 : f32 to vector<16xf32>
        %gt3A_537 = arith.cmpf ogt, %div3A_534, %gt3A_536 : vector<16xf32>
        %add3A_538 = arith.constant 64 : i32
        %add3A_539 = vector.broadcast %add3A_538 : i32 to vector<16xi32>
        %add3A_540 = arith.addi %iota3A, %add3A_539 : vector<16xi32>
        %lt3A_541 = vector.broadcast %while3A_232 : i32 to vector<16xi32>
        %lt3A_542 = arith.cmpi slt, %add3A_540, %lt3A_541 : vector<16xi32>
        %and3A_543 = arith.andi %gt3A_537, %lt3A_542 : vector<16xi1>
        %or3A_544 = arith.ori %or3A_500, %and3A_543 : vector<16xi1>
        %get3A_545 = arith.constant 80 : index
        %get3A_546 = tpu.vector_load %arg10[%get3A_545] {strides = array<i32>} : memref<112xf32, #tpu.memory_space<vmem>>, vector<16xf32>,
        %get3A_547 = arith.constant 80 : index
        %get3A_548 = tpu.vector_load %arg11[%get3A_547] {strides = array<i32>} : memref<112xf32, #tpu.memory_space<vmem>>, vector<16xf32>,
        %get3A_549 = arith.constant 80 : index
        %get3A_550 = tpu.vector_load %arg12[%get3A_549] {strides = array<i32>} : memref<112xf32, #tpu.memory_space<vmem>>, vector<16xf32>,
        %get3A_551 = arith.constant 80 : index
        %get3A_552 = tpu.vector_load %arg13[%get3A_551] {strides = array<i32>} : memref<112xf32, #tpu.memory_space<vmem>>, vector<16xf32>,
        %get3A_553 = arith.constant 80 : index
        %get3A_554 = tpu.vector_load %arg14[%get3A_553] {strides = array<i32>} : memref<112xf32, #tpu.memory_space<vmem>>, vector<16xf32>,
        %min3A_555 = vector.broadcast %squeeze3A_321 : f32 to vector<16xf32>
        %min3A_556 = arith.minimumf %get3A_550, %min3A_555 : vector<16xf32>
        %max3A_557 = vector.broadcast %squeeze3A_317 : f32 to vector<16xf32>
        %max3A_558 = arith.maximumf %get3A_546, %max3A_557 : vector<16xf32>
        %sub3A_559 = arith.subf %min3A_556, %max3A_558 : vector<16xf32>
        %max3A_560 = arith.constant 0.000000e+00 : f32
        %max3A_561 = vector.broadcast %max3A_560 : f32 to vector<16xf32>
        %max3A_562 = arith.maximumf %sub3A_559, %max3A_561 : vector<16xf32>
        %min3A_563 = vector.broadcast %squeeze3A_323 : f32 to vector<16xf32>
        %min3A_564 = arith.minimumf %get3A_552, %min3A_563 : vector<16xf32>
        %max3A_565 = vector.broadcast %squeeze3A_319 : f32 to vector<16xf32>
        %max3A_566 = arith.maximumf %get3A_548, %max3A_565 : vector<16xf32>
        %sub3A_567 = arith.subf %min3A_564, %max3A_566 : vector<16xf32>
        %max3A_568 = arith.constant 0.000000e+00 : f32
        %max3A_569 = vector.broadcast %max3A_568 : f32 to vector<16xf32>
        %max3A_570 = arith.maximumf %sub3A_567, %max3A_569 : vector<16xf32>
        %mul3A_571 = arith.mulf %max3A_562, %max3A_570 : vector<16xf32>
        %add3A_572 = vector.broadcast %mul3A_325 : f32 to vector<16xf32>
        %add3A_573 = arith.addf %get3A_554, %add3A_572 : vector<16xf32>
        %sub3A_574 = arith.subf %add3A_573, %mul3A_571 : vector<16xf32>
        %add3A_575 = arith.constant 9.99999971E-10 : f32
        %add3A_576 = vector.broadcast %add3A_575 : f32 to vector<16xf32>
        %add3A_577 = arith.addf %sub3A_574, %add3A_576 : vector<16xf32>
        %div3A_578 = arith.divf %mul3A_571, %add3A_577 : vector<16xf32>
        %gt3A_579 = arith.constant 5.000000e-01 : f32
        %gt3A_580 = vector.broadcast %gt3A_579 : f32 to vector<16xf32>
        %gt3A_581 = arith.cmpf ogt, %div3A_578, %gt3A_580 : vector<16xf32>
        %add3A_582 = arith.constant 80 : i32
        %add3A_583 = vector.broadcast %add3A_582 : i32 to vector<16xi32>
        %add3A_584 = arith.addi %iota3A, %add3A_583 : vector<16xi32>
        %lt3A_585 = vector.broadcast %while3A_232 : i32 to vector<16xi32>
        %lt3A_586 = arith.cmpi slt, %add3A_584, %lt3A_585 : vector<16xi32>
        %and3A_587 = arith.andi %gt3A_581, %lt3A_586 : vector<16xi1>
        %or3A_588 = arith.ori %or3A_544, %and3A_587 : vector<16xi1>
        %get3A_589 = arith.constant 96 : index
        %get3A_590 = tpu.vector_load %arg10[%get3A_589] {strides = array<i32>} : memref<112xf32, #tpu.memory_space<vmem>>, vector<16xf32>,
        %get3A_591 = arith.constant 96 : index
        %get3A_592 = tpu.vector_load %arg11[%get3A_591] {strides = array<i32>} : memref<112xf32, #tpu.memory_space<vmem>>, vector<16xf32>,
        %get3A_593 = arith.constant 96 : index
        %get3A_594 = tpu.vector_load %arg12[%get3A_593] {strides = array<i32>} : memref<112xf32, #tpu.memory_space<vmem>>, vector<16xf32>,
        %get3A_595 = arith.constant 96 : index
        %get3A_596 = tpu.vector_load %arg13[%get3A_595] {strides = array<i32>} : memref<112xf32, #tpu.memory_space<vmem>>, vector<16xf32>,
        %get3A_597 = arith.constant 96 : index
        %get3A_598 = tpu.vector_load %arg14[%get3A_597] {strides = array<i32>} : memref<112xf32, #tpu.memory_space<vmem>>, vector<16xf32>,
        %min3A_599 = vector.broadcast %squeeze3A_321 : f32 to vector<16xf32>
        %min3A_600 = arith.minimumf %get3A_594, %min3A_599 : vector<16xf32>
        %max3A_601 = vector.broadcast %squeeze3A_317 : f32 to vector<16xf32>
        %max3A_602 = arith.maximumf %get3A_590, %max3A_601 : vector<16xf32>
        %sub3A_603 = arith.subf %min3A_600, %max3A_602 : vector<16xf32>
        %max3A_604 = arith.constant 0.000000e+00 : f32
        %max3A_605 = vector.broadcast %max3A_604 : f32 to vector<16xf32>
        %max3A_606 = arith.maximumf %sub3A_603, %max3A_605 : vector<16xf32>
        %min3A_607 = vector.broadcast %squeeze3A_323 : f32 to vector<16xf32>
        %min3A_608 = arith.minimumf %get3A_596, %min3A_607 : vector<16xf32>
        %max3A_609 = vector.broadcast %squeeze3A_319 : f32 to vector<16xf32>
        %max3A_610 = arith.maximumf %get3A_592, %max3A_609 : vector<16xf32>
        %sub3A_611 = arith.subf %min3A_608, %max3A_610 : vector<16xf32>
        %max3A_612 = arith.constant 0.000000e+00 : f32
        %max3A_613 = vector.broadcast %max3A_612 : f32 to vector<16xf32>
        %max3A_614 = arith.maximumf %sub3A_611, %max3A_613 : vector<16xf32>
        %mul3A_615 = arith.mulf %max3A_606, %max3A_614 : vector<16xf32>
        %add3A_616 = vector.broadcast %mul3A_325 : f32 to vector<16xf32>
        %add3A_617 = arith.addf %get3A_598, %add3A_616 : vector<16xf32>
        %sub3A_618 = arith.subf %add3A_617, %mul3A_615 : vector<16xf32>
        %add3A_619 = arith.constant 9.99999971E-10 : f32
        %add3A_620 = vector.broadcast %add3A_619 : f32 to vector<16xf32>
        %add3A_621 = arith.addf %sub3A_618, %add3A_620 : vector<16xf32>
        %div3A_622 = arith.divf %mul3A_615, %add3A_621 : vector<16xf32>
        %gt3A_623 = arith.constant 5.000000e-01 : f32
        %gt3A_624 = vector.broadcast %gt3A_623 : f32 to vector<16xf32>
        %gt3A_625 = arith.cmpf ogt, %div3A_622, %gt3A_624 : vector<16xf32>
        %add3A_626 = arith.constant 96 : i32
        %add3A_627 = vector.broadcast %add3A_626 : i32 to vector<16xi32>
        %add3A_628 = arith.addi %iota3A, %add3A_627 : vector<16xi32>
        %lt3A_629 = vector.broadcast %while3A_232 : i32 to vector<16xi32>
        %lt3A_630 = arith.cmpi slt, %add3A_628, %lt3A_629 : vector<16xi32>
        %and3A_631 = arith.andi %gt3A_625, %lt3A_630 : vector<16xi1>
        %or3A_632 = arith.ori %or3A_588, %and3A_631 : vector<16xi1>
        %all_reduce_population_count3A_633 = tpu.all_reduce %or3A_632 {dim = 0 : i64, kind = #tpu.reduction_kind<sum>} : vector<16xi1> -> vector<16xi32>
        %slice3A_634 = vector.extract_strided_slice %all_reduce_population_count3A_633 {offsets = [0], sizes = [1], strides = [1]} : vector<16xi32> to vector<1xi32>
        %squeeze3A_635 = vector.extract %slice3A_634[0] : i32 from vector<1xi32>
        %eq3A_636 = arith.constant 0 : i32
        %eq3A_637 = arith.cmpi eq, %convert_element_type3A_245, %eq3A_636 : i32
        %eq3A_638 = arith.constant 0 : i32
        %eq3A_639 = arith.cmpi eq, %squeeze3A_635, %eq3A_638 : i32
        %and3A_640 = arith.andi %eq3A_637, %eq3A_639 : i1
        %gt3A_641 = arith.constant 0 : i32
        %gt3A_642 = arith.cmpi sgt, %squeeze3A_635, %gt3A_641 : i32
        %and3A_643 = arith.andi %eq3A_637, %gt3A_642 : i1
        %lt3A_644 = arith.constant 100 : i32
        %lt3A_645 = arith.cmpi slt, %while3A_233, %lt3A_644 : i32
        %and3A_646 = arith.andi %and3A_643, %lt3A_645 : i1
        %jit3A = arith.constant 111 : i32
        %select_n3A_647 = arith.select %and3A_640, %while3A_232, %jit3A : i32
        %broadcast_in_dim3A_648 = vector.broadcast %select_n3A_647 : i32 to vector<16xi32>
        %broadcast_in_dim3A_649 = vector.broadcast %squeeze3A_317 : f32 to vector<16xf32>
        tpu.vector_store_idx %arg10[%broadcast_in_dim3A_648], %broadcast_in_dim3A_649 : memref<112xf32, #tpu.memory_space<vmem>>[vector<16xi32>], vector<16xf32>,
        %broadcast_in_dim3A_650 = vector.broadcast %select_n3A_647 : i32 to vector<16xi32>
        %broadcast_in_dim3A_651 = vector.broadcast %squeeze3A_319 : f32 to vector<16xf32>
        tpu.vector_store_idx %arg11[%broadcast_in_dim3A_650], %broadcast_in_dim3A_651 : memref<112xf32, #tpu.memory_space<vmem>>[vector<16xi32>], vector<16xf32>,
        %broadcast_in_dim3A_652 = vector.broadcast %select_n3A_647 : i32 to vector<16xi32>
        %broadcast_in_dim3A_653 = vector.broadcast %squeeze3A_321 : f32 to vector<16xf32>
        tpu.vector_store_idx %arg12[%broadcast_in_dim3A_652], %broadcast_in_dim3A_653 : memref<112xf32, #tpu.memory_space<vmem>>[vector<16xi32>], vector<16xf32>,
        %broadcast_in_dim3A_654 = vector.broadcast %select_n3A_647 : i32 to vector<16xi32>
        %broadcast_in_dim3A_655 = vector.broadcast %squeeze3A_323 : f32 to vector<16xf32>
        tpu.vector_store_idx %arg13[%broadcast_in_dim3A_654], %broadcast_in_dim3A_655 : memref<112xf32, #tpu.memory_space<vmem>>[vector<16xi32>], vector<16xf32>,
        %broadcast_in_dim3A_656 = vector.broadcast %select_n3A_647 : i32 to vector<16xi32>
        %broadcast_in_dim3A_657 = vector.broadcast %mul3A_325 : f32 to vector<16xf32>
        tpu.vector_store_idx %arg14[%broadcast_in_dim3A_656], %broadcast_in_dim3A_657 : memref<112xf32, #tpu.memory_space<vmem>>[vector<16xi32>], vector<16xf32>,
        %mul3A_658 = arith.constant 5 : i32
        %mul3A_659 = arith.muli %while3A_232, %mul3A_658 : i32
        %jit3A_660 = arith.constant 505 : i32
        %select_n3A_661 = arith.select %and3A_640, %mul3A_659, %jit3A_660 : i32
        %broadcast_in_dim3A_662 = vector.broadcast %select_n3A_661 : i32 to vector<16xi32>
        %broadcast_in_dim3A_663 = vector.broadcast %squeeze3A_317 : f32 to vector<16xf32>
        tpu.vector_store_idx %arg20[%broadcast_in_dim3A_662], %broadcast_in_dim3A_663 : memref<512xf32, #tpu.memory_space<vmem>>[vector<16xi32>], vector<16xf32>,
        %add3A_664 = arith.constant 1 : i32
        %add3A_665 = arith.addi %select_n3A_661, %add3A_664 : i32
        %broadcast_in_dim3A_666 = vector.broadcast %add3A_665 : i32 to vector<16xi32>
        %broadcast_in_dim3A_667 = vector.broadcast %squeeze3A_319 : f32 to vector<16xf32>
        tpu.vector_store_idx %arg20[%broadcast_in_dim3A_666], %broadcast_in_dim3A_667 : memref<512xf32, #tpu.memory_space<vmem>>[vector<16xi32>], vector<16xf32>,
        %add3A_668 = arith.constant 2 : i32
        %add3A_669 = arith.addi %select_n3A_661, %add3A_668 : i32
        %broadcast_in_dim3A_670 = vector.broadcast %add3A_669 : i32 to vector<16xi32>
        %broadcast_in_dim3A_671 = vector.broadcast %squeeze3A_321 : f32 to vector<16xf32>
        tpu.vector_store_idx %arg20[%broadcast_in_dim3A_670], %broadcast_in_dim3A_671 : memref<512xf32, #tpu.memory_space<vmem>>[vector<16xi32>], vector<16xf32>,
        %add3A_672 = arith.constant 3 : i32
        %add3A_673 = arith.addi %select_n3A_661, %add3A_672 : i32
        %broadcast_in_dim3A_674 = vector.broadcast %add3A_673 : i32 to vector<16xi32>
        %broadcast_in_dim3A_675 = vector.broadcast %squeeze3A_323 : f32 to vector<16xf32>
        tpu.vector_store_idx %arg20[%broadcast_in_dim3A_674], %broadcast_in_dim3A_675 : memref<512xf32, #tpu.memory_space<vmem>>[vector<16xi32>], vector<16xf32>,
        %add3A_676 = arith.constant 4 : i32
        %add3A_677 = arith.addi %select_n3A_661, %add3A_676 : i32
        %broadcast_in_dim3A_678 = vector.broadcast %add3A_677 : i32 to vector<16xi32>
        %broadcast_in_dim3A_679 = vector.broadcast %reduce_max3A_242 : f32 to vector<16xf32>
        tpu.vector_store_idx %arg20[%broadcast_in_dim3A_678], %broadcast_in_dim3A_679 : memref<512xf32, #tpu.memory_space<vmem>>[vector<16xi32>], vector<16xf32>,
        %jit3A_680 = arith.constant 111 : i32
        %select_n3A_681 = arith.select %and3A_646, %while3A_233, %jit3A_680 : i32
        %broadcast_in_dim3A_682 = vector.broadcast %select_n3A_681 : i32 to vector<16xi32>
        %broadcast_in_dim3A_683 = vector.broadcast %squeeze3A_317 : f32 to vector<16xf32>
        tpu.vector_store_idx %arg15[%broadcast_in_dim3A_682], %broadcast_in_dim3A_683 : memref<112xf32, #tpu.memory_space<vmem>>[vector<16xi32>], vector<16xf32>,
        %broadcast_in_dim3A_684 = vector.broadcast %select_n3A_681 : i32 to vector<16xi32>
        %broadcast_in_dim3A_685 = vector.broadcast %squeeze3A_319 : f32 to vector<16xf32>
        tpu.vector_store_idx %arg16[%broadcast_in_dim3A_684], %broadcast_in_dim3A_685 : memref<112xf32, #tpu.memory_space<vmem>>[vector<16xi32>], vector<16xf32>,
        %broadcast_in_dim3A_686 = vector.broadcast %select_n3A_681 : i32 to vector<16xi32>
        %broadcast_in_dim3A_687 = vector.broadcast %squeeze3A_321 : f32 to vector<16xf32>
        tpu.vector_store_idx %arg17[%broadcast_in_dim3A_686], %broadcast_in_dim3A_687 : memref<112xf32, #tpu.memory_space<vmem>>[vector<16xi32>], vector<16xf32>,
        %broadcast_in_dim3A_688 = vector.broadcast %select_n3A_681 : i32 to vector<16xi32>
        %broadcast_in_dim3A_689 = vector.broadcast %squeeze3A_323 : f32 to vector<16xf32>
        tpu.vector_store_idx %arg18[%broadcast_in_dim3A_688], %broadcast_in_dim3A_689 : memref<112xf32, #tpu.memory_space<vmem>>[vector<16xi32>], vector<16xf32>,
        %broadcast_in_dim3A_690 = vector.broadcast %select_n3A_681 : i32 to vector<16xi32>
        %broadcast_in_dim3A_691 = vector.broadcast %reduce_max3A_242 : f32 to vector<16xf32>
        tpu.vector_store_idx %arg19[%broadcast_in_dim3A_690], %broadcast_in_dim3A_691 : memref<112xf32, #tpu.memory_space<vmem>>[vector<16xi32>], vector<16xf32>,
        %add3A_692 = arith.constant 1 : i32
        %add3A_693 = arith.addi %while3A_232, %add3A_692 : i32
        %select_n3A_694 = arith.select %and3A_640, %add3A_693, %while3A_232 : i32
        %add3A_695 = arith.constant 1 : i32
        %add3A_696 = arith.addi %while3A_233, %add3A_695 : i32
        %select_n3A_697 = arith.select %and3A_646, %add3A_696, %while3A_233 : i32
        scf.yield %select_n3A_694, %select_n3A_697, %convert_element_type3A_245 : i32, i32, i32
      }
      %while3A_228 = arith.constant 0 : i32
      %while3A_229:2 = scf.while (%while3A_232 = %while3A_227#0, %while3A_233 = %while3A_228) : (i32, i32) -> (i32, i32) {
        %lt3A_234 = arith.constant 100 : i32
        %lt3A_235 = arith.cmpi slt, %while3A_232, %lt3A_234 : i32
        %lt3A_236 = arith.cmpi slt, %while3A_233, %while3A_227#1 : i32
        %and3A_237 = arith.andi %lt3A_235, %lt3A_236 : i1
        scf.condition(%and3A_237) %while3A_232, %while3A_233 : i32, i32
      } do {
      ^bb0(%while3A_232: i32, %while3A_233: i32):
        %mul3A_234 = arith.constant 5 : i32
        %mul3A_235 = arith.muli %while3A_232, %mul3A_234 : i32
        %broadcast_in_dim3A_236 = vector.broadcast %while3A_233 : i32 to vector<16xi32>
        %gather3A_237 = tpu.vector_load_idx %arg15[%broadcast_in_dim3A_236] : memref<112xf32, #tpu.memory_space<vmem>>[vector<16xi32>], vector<16xf32>,
        %slice3A = vector.extract_strided_slice %gather3A_237 {offsets = [0], sizes = [1], strides = [1]} : vector<16xf32> to vector<1xf32>
        %squeeze3A = vector.extract %slice3A[0] : f32 from vector<1xf32>
        %broadcast_in_dim3A_238 = vector.broadcast %mul3A_235 : i32 to vector<16xi32>
        %broadcast_in_dim3A_239 = vector.broadcast %squeeze3A : f32 to vector<16xf32>
        tpu.vector_store_idx %arg20[%broadcast_in_dim3A_238], %broadcast_in_dim3A_239 : memref<512xf32, #tpu.memory_space<vmem>>[vector<16xi32>], vector<16xf32>,
        %add3A_240 = arith.constant 1 : i32
        %add3A_241 = arith.addi %mul3A_235, %add3A_240 : i32
        %broadcast_in_dim3A_242 = vector.broadcast %while3A_233 : i32 to vector<16xi32>
        %gather3A_243 = tpu.vector_load_idx %arg16[%broadcast_in_dim3A_242] : memref<112xf32, #tpu.memory_space<vmem>>[vector<16xi32>], vector<16xf32>,
        %slice3A_244 = vector.extract_strided_slice %gather3A_243 {offsets = [0], sizes = [1], strides = [1]} : vector<16xf32> to vector<1xf32>
        %squeeze3A_245 = vector.extract %slice3A_244[0] : f32 from vector<1xf32>
        %broadcast_in_dim3A_246 = vector.broadcast %add3A_241 : i32 to vector<16xi32>
        %broadcast_in_dim3A_247 = vector.broadcast %squeeze3A_245 : f32 to vector<16xf32>
        tpu.vector_store_idx %arg20[%broadcast_in_dim3A_246], %broadcast_in_dim3A_247 : memref<512xf32, #tpu.memory_space<vmem>>[vector<16xi32>], vector<16xf32>,
        %add3A_248 = arith.constant 2 : i32
        %add3A_249 = arith.addi %mul3A_235, %add3A_248 : i32
        %broadcast_in_dim3A_250 = vector.broadcast %while3A_233 : i32 to vector<16xi32>
        %gather3A_251 = tpu.vector_load_idx %arg17[%broadcast_in_dim3A_250] : memref<112xf32, #tpu.memory_space<vmem>>[vector<16xi32>], vector<16xf32>,
        %slice3A_252 = vector.extract_strided_slice %gather3A_251 {offsets = [0], sizes = [1], strides = [1]} : vector<16xf32> to vector<1xf32>
        %squeeze3A_253 = vector.extract %slice3A_252[0] : f32 from vector<1xf32>
        %broadcast_in_dim3A_254 = vector.broadcast %add3A_249 : i32 to vector<16xi32>
        %broadcast_in_dim3A_255 = vector.broadcast %squeeze3A_253 : f32 to vector<16xf32>
        tpu.vector_store_idx %arg20[%broadcast_in_dim3A_254], %broadcast_in_dim3A_255 : memref<512xf32, #tpu.memory_space<vmem>>[vector<16xi32>], vector<16xf32>,
        %add3A_256 = arith.constant 3 : i32
        %add3A_257 = arith.addi %mul3A_235, %add3A_256 : i32
        %broadcast_in_dim3A_258 = vector.broadcast %while3A_233 : i32 to vector<16xi32>
        %gather3A_259 = tpu.vector_load_idx %arg18[%broadcast_in_dim3A_258] : memref<112xf32, #tpu.memory_space<vmem>>[vector<16xi32>], vector<16xf32>,
        %slice3A_260 = vector.extract_strided_slice %gather3A_259 {offsets = [0], sizes = [1], strides = [1]} : vector<16xf32> to vector<1xf32>
        %squeeze3A_261 = vector.extract %slice3A_260[0] : f32 from vector<1xf32>
        %broadcast_in_dim3A_262 = vector.broadcast %add3A_257 : i32 to vector<16xi32>
        %broadcast_in_dim3A_263 = vector.broadcast %squeeze3A_261 : f32 to vector<16xf32>
        tpu.vector_store_idx %arg20[%broadcast_in_dim3A_262], %broadcast_in_dim3A_263 : memref<512xf32, #tpu.memory_space<vmem>>[vector<16xi32>], vector<16xf32>,
        %add3A_264 = arith.constant 4 : i32
        %add3A_265 = arith.addi %mul3A_235, %add3A_264 : i32
        %broadcast_in_dim3A_266 = vector.broadcast %while3A_233 : i32 to vector<16xi32>
        %gather3A_267 = tpu.vector_load_idx %arg19[%broadcast_in_dim3A_266] : memref<112xf32, #tpu.memory_space<vmem>>[vector<16xi32>], vector<16xf32>,
        %slice3A_268 = vector.extract_strided_slice %gather3A_267 {offsets = [0], sizes = [1], strides = [1]} : vector<16xf32> to vector<1xf32>
        %squeeze3A_269 = vector.extract %slice3A_268[0] : f32 from vector<1xf32>
        %broadcast_in_dim3A_270 = vector.broadcast %add3A_265 : i32 to vector<16xi32>
        %broadcast_in_dim3A_271 = vector.broadcast %squeeze3A_269 : f32 to vector<16xf32>
        tpu.vector_store_idx %arg20[%broadcast_in_dim3A_270], %broadcast_in_dim3A_271 : memref<512xf32, #tpu.memory_space<vmem>>[vector<16xi32>], vector<16xf32>,
        %add3A_272 = arith.constant 1 : i32
        %add3A_273 = arith.addi %while3A_232, %add3A_272 : i32
        %add3A_274 = arith.constant 1 : i32
        %add3A_275 = arith.addi %while3A_233, %add3A_274 : i32
        scf.yield %add3A_273, %add3A_275 : i32, i32
      }
      %while3A_230 = arith.constant 0 : i32
      %while3A_231:2 = scf.while (%while3A_232 = %while3A_229#0, %while3A_233 = %while3A_230) : (i32, i32) -> (i32, i32) {
        %lt3A_234 = arith.constant 100 : i32
        %lt3A_235 = arith.cmpi slt, %while3A_232, %lt3A_234 : i32
        %lt3A_236 = arith.constant 5000 : i32
        %lt3A_237 = arith.cmpi slt, %while3A_233, %lt3A_236 : i32
        %and3A_238 = arith.andi %lt3A_235, %lt3A_237 : i1
        scf.condition(%and3A_238) %while3A_232, %while3A_233 : i32, i32
      } do {
      ^bb0(%while3A_232: i32, %while3A_233: i32):
        %broadcast_in_dim3A_234 = vector.broadcast %while3A_233 : i32 to vector<16xi32>
        %gather3A_235 = tpu.vector_load_idx %arg7[%broadcast_in_dim3A_234] : memref<5000xf32, #tpu.memory_space<vmem>>[vector<16xi32>], vector<16xf32>,
        %slice3A = vector.extract_strided_slice %gather3A_235 {offsets = [0], sizes = [1], strides = [1]} : vector<16xf32> to vector<1xf32>
        %squeeze3A = vector.extract %slice3A[0] : f32 from vector<1xf32>
        %lt3A_236 = arith.constant 5.000000e-02 : f32
        %lt3A_237 = arith.cmpf olt, %squeeze3A, %lt3A_236 : f32
        %convert_element_type3A_238 = arith.extui %lt3A_237 : i1 to i32
        %cond3A_239 = arith.constant 0 : i32
        %cond3A_240 = arith.cmpi ne, %convert_element_type3A_238, %cond3A_239 : i32
        scf.if %cond3A_240 {
          %mul3A_246 = arith.constant 5 : i32
          %mul3A_247 = arith.muli %while3A_232, %mul3A_246 : i32
          %mul3A_248 = arith.constant 4 : i32
          %mul3A_249 = arith.muli %while3A_233, %mul3A_248 : i32
          %broadcast_in_dim3A_250 = vector.broadcast %mul3A_249 : i32 to vector<16xi32>
          %gather3A_251 = tpu.vector_load_idx %arg5[%broadcast_in_dim3A_250] : memref<20000xf32, #tpu.memory_space<vmem>>[vector<16xi32>], vector<16xf32>,
          %slice3A_252 = vector.extract_strided_slice %gather3A_251 {offsets = [0], sizes = [1], strides = [1]} : vector<16xf32> to vector<1xf32>
          %squeeze3A_253 = vector.extract %slice3A_252[0] : f32 from vector<1xf32>
          %broadcast_in_dim3A_254 = vector.broadcast %mul3A_247 : i32 to vector<16xi32>
          %broadcast_in_dim3A_255 = vector.broadcast %squeeze3A_253 : f32 to vector<16xf32>
          tpu.vector_store_idx %arg20[%broadcast_in_dim3A_254], %broadcast_in_dim3A_255 : memref<512xf32, #tpu.memory_space<vmem>>[vector<16xi32>], vector<16xf32>,
          %add3A_256 = arith.constant 1 : i32
          %add3A_257 = arith.addi %mul3A_247, %add3A_256 : i32
          %mul3A_258 = arith.constant 4 : i32
          %mul3A_259 = arith.muli %while3A_233, %mul3A_258 : i32
          %add3A_260 = arith.constant 1 : i32
          %add3A_261 = arith.addi %mul3A_259, %add3A_260 : i32
          %broadcast_in_dim3A_262 = vector.broadcast %add3A_261 : i32 to vector<16xi32>
          %gather3A_263 = tpu.vector_load_idx %arg5[%broadcast_in_dim3A_262] : memref<20000xf32, #tpu.memory_space<vmem>>[vector<16xi32>], vector<16xf32>,
          %slice3A_264 = vector.extract_strided_slice %gather3A_263 {offsets = [0], sizes = [1], strides = [1]} : vector<16xf32> to vector<1xf32>
          %squeeze3A_265 = vector.extract %slice3A_264[0] : f32 from vector<1xf32>
          %broadcast_in_dim3A_266 = vector.broadcast %add3A_257 : i32 to vector<16xi32>
          %broadcast_in_dim3A_267 = vector.broadcast %squeeze3A_265 : f32 to vector<16xf32>
          tpu.vector_store_idx %arg20[%broadcast_in_dim3A_266], %broadcast_in_dim3A_267 : memref<512xf32, #tpu.memory_space<vmem>>[vector<16xi32>], vector<16xf32>,
          %add3A_268 = arith.constant 2 : i32
          %add3A_269 = arith.addi %mul3A_247, %add3A_268 : i32
          %mul3A_270 = arith.constant 4 : i32
          %mul3A_271 = arith.muli %while3A_233, %mul3A_270 : i32
          %add3A_272 = arith.constant 2 : i32
          %add3A_273 = arith.addi %mul3A_271, %add3A_272 : i32
          %broadcast_in_dim3A_274 = vector.broadcast %add3A_273 : i32 to vector<16xi32>
          %gather3A_275 = tpu.vector_load_idx %arg5[%broadcast_in_dim3A_274] : memref<20000xf32, #tpu.memory_space<vmem>>[vector<16xi32>], vector<16xf32>,
          %slice3A_276 = vector.extract_strided_slice %gather3A_275 {offsets = [0], sizes = [1], strides = [1]} : vector<16xf32> to vector<1xf32>
          %squeeze3A_277 = vector.extract %slice3A_276[0] : f32 from vector<1xf32>
          %broadcast_in_dim3A_278 = vector.broadcast %add3A_269 : i32 to vector<16xi32>
          %broadcast_in_dim3A_279 = vector.broadcast %squeeze3A_277 : f32 to vector<16xf32>
          tpu.vector_store_idx %arg20[%broadcast_in_dim3A_278], %broadcast_in_dim3A_279 : memref<512xf32, #tpu.memory_space<vmem>>[vector<16xi32>], vector<16xf32>,
          %add3A_280 = arith.constant 3 : i32
          %add3A_281 = arith.addi %mul3A_247, %add3A_280 : i32
          %mul3A_282 = arith.constant 4 : i32
          %mul3A_283 = arith.muli %while3A_233, %mul3A_282 : i32
          %add3A_284 = arith.constant 3 : i32
          %add3A_285 = arith.addi %mul3A_283, %add3A_284 : i32
          %broadcast_in_dim3A_286 = vector.broadcast %add3A_285 : i32 to vector<16xi32>
          %gather3A_287 = tpu.vector_load_idx %arg5[%broadcast_in_dim3A_286] : memref<20000xf32, #tpu.memory_space<vmem>>[vector<16xi32>], vector<16xf32>,
          %slice3A_288 = vector.extract_strided_slice %gather3A_287 {offsets = [0], sizes = [1], strides = [1]} : vector<16xf32> to vector<1xf32>
          %squeeze3A_289 = vector.extract %slice3A_288[0] : f32 from vector<1xf32>
          %broadcast_in_dim3A_290 = vector.broadcast %add3A_281 : i32 to vector<16xi32>
          %broadcast_in_dim3A_291 = vector.broadcast %squeeze3A_289 : f32 to vector<16xf32>
          tpu.vector_store_idx %arg20[%broadcast_in_dim3A_290], %broadcast_in_dim3A_291 : memref<512xf32, #tpu.memory_space<vmem>>[vector<16xi32>], vector<16xf32>,
          %add3A_292 = arith.constant 4 : i32
          %add3A_293 = arith.addi %mul3A_247, %add3A_292 : i32
          %broadcast_in_dim3A_294 = vector.broadcast %add3A_293 : i32 to vector<16xi32>
          %broadcast_in_dim3A_295 = arith.constant 0xFF800000 : f32
          %broadcast_in_dim3A_296 = vector.broadcast %broadcast_in_dim3A_295 : f32 to vector<16xf32>
          tpu.vector_store_idx %arg20[%broadcast_in_dim3A_294], %broadcast_in_dim3A_296 : memref<512xf32, #tpu.memory_space<vmem>>[vector<16xi32>], vector<16xf32>,
        } else {
        }
        %add3A_241 = arith.constant 1 : i32
        %add3A_242 = arith.addi %while3A_232, %add3A_241 : i32
        %select_n3A_243 = arith.select %lt3A_237, %add3A_242, %while3A_232 : i32
        %add3A_244 = arith.constant 1 : i32
        %add3A_245 = arith.addi %while3A_233, %add3A_244 : i32
        scf.yield %select_n3A_243, %add3A_245 : i32, i32
      }
      "tpu.region"() ({
        %run_scoped3A = tpu.sem_alloc : memref<!tpu.dma_semaphore, #tpu.memory_space<semaphore_mem>>
        tpu.enqueue_dma source(%arg20 : memref<512xf32, #tpu.memory_space<vmem>>) target(%arg4 : memref<512xf32, #tpu.memory_space<hbm>>) target_semaphore(%run_scoped3A : memref<!tpu.dma_semaphore, #tpu.memory_space<semaphore_mem>>)
        tpu.wait_dma2 semaphore(%run_scoped3A : memref<!tpu.dma_semaphore, #tpu.memory_space<semaphore_mem>>) src(%arg20 : memref<512xf32, #tpu.memory_space<vmem>>) dst(%arg4 : memref<512xf32, #tpu.memory_space<hbm>>)
        tpu.yield
      }) : () -> ()
    } else {
    }
    return
  }
}

</mosaic_0001>

<sc_bundles>
// kernel: kernel.3.cloned.1.call-start
scs
__scs_entry_jumppad:
0x0: {  	(pc) =	sbr.rel $0x88, $3  }
0x1: {  	(tag) =	ssettag $0x0;
	lr =	simm.s32 $0x1  }
0x2: {  	[smem:$0x3F9F] =	sst lr;
	_ =	strace $0xD0000000  }
0x3: {  	_ = 	snop  }
0x4: {  	_ = 	snop  }
0x5: {  	_ = 	snop  }
0x6: {  	_ = 	snop  }
0x7: {  	_ = 	snop  }
__scs_overlays_trampoline_lowered:
0x8: {  	[smem:$0x3FAE] =	sst s0  }
0x9: {  	[smem:$0x3FAF] =	sst s1  }
0xa: {  	[smem:$0x3FB0] =	sst s2  }
0xb: {  	[smem:$0x3FB1] =	sst s3  }
0xc: {  	[smem:$0x3FB2] =	sst s4  }
0xd: {  	[smem:$0x3FB3] =	sst s5  }
0xe: {  	[smem:$0x3FB4] =	sst s6  }
0xf: {  	[smem:$0x3FB5] =	sst s7  }
0x10: {  	[smem:$0x3FB6] =	sst s8  }
0x11: {  	[smem:$0x3FB7] =	sst s9;
	s0 =	simm.s32 @!p0 $0x0  }
0x12: {  	s1 =	sld [smem:$0x3F9D];
	s0 =	simm.s32 @p0 $0x1  }
0x13: {  	[smem:$0x3FB8] =	sst s0;
	s0 =	simm.s32 @!p1 $0x0  }
0x14: {  	s2 =	sld [smem:$0x3F9C];
	s0 =	simm.s32 @p1 $0x1  }
0x15: {  	[smem:$0x3FB9] =	sst s0;
	s0 =	simm.s32 @!p2 $0x0  }
0x16: {  	s3 =	sld [smem:$0x3FDB];
	s0 =	simm.s32 @p2 $0x1  }
0x17: {  	s4 =	simm.s32 $0x1BF5;
	[smem:$0x3FBB] =	sst s0  }
0x18: {  	s0 =	sld [smem:$0x3F9E];
	_ =	swait.ge [sflag:s4], $0x0  }
0x19: {  	s7 =	sld [smem:$0x3F9F]  }
0x1a: {  	s8 =	sadd.s32 $0xFFFFE003, lr  }
0x1b: {  	s9 =	sadd.s32 $0xFFFFFEF7, lr;
	s5 =	simm.s32 $0xFFFFFFFF;
	p2 =	slt.u32 s8, $0xFFFFF086  }
0x1c: {  	p1 =	slt.u32 s9, $0xF7A;
	s5 =	simm.s32 @!p2 $0x0  }
0x1d: {  	s5 =	simm.s32 @p1 $0x1;
	p0 =	seq.s32 s7, s2  }
0x1e: {  	s7 =	smul.u32 @!p0 $0xF7A, s2;
	p2 =	seq.s32 @!p0 s5, $0x0  }
0x1f: {  	s9 =	smul.u32 $0xF7A, s1;
	s8 =	simm.s32 @!p0 $0x1BF5;
	p2 =	por !p2, p0  }
0x20: {  	[sflag:s8] =	ssyncset.s32 @!p0 $0xFFFFF086;
	s6 =	sadd.s32 @!p0 s3, s7;
	s7 =	simm.s32 @!p0 $0x108  }
0x21: {  	s3 =	sadd.s32 s3, s9;
	s6 =	sadd.s32 @!p0 $0x88, s6;
	s7 =	simm.s32 @p2 $0x1082  }
0x22: {  	[simem:s7], [sflag:s8] =	dma.local @!p0 [hbm:s6], $0xF7A  }
0x23: {  	s9 =	sor.u32 $0xD0000000, s2;
	s6 =	simm.s32 $0x108;
	_ =	swait.ge @!p0 [sflag:s8], $0x0  }
0x24: {  	s3 =	sadd.s32 $0x88, s3;
	s6 =	simm.s32 @!p1 $0x1082;
	[sflag:s4] =	ssyncset.s32 $0xFFFFF086  }
0x25: {  	[simem:s6], [sflag:s4] =	dma.local [hbm:s3], $0xF7A  }
0x26: {  	[smem:$0x3F9F] =	sst s1;
	(tag) =	ssettag s2;
	_ =	strace s9  }
0x27: {  	s1 =	sld [smem:$0x3FAF]  }
0x28: {  	s2 =	sld [smem:$0x3FB0]  }
0x29: {  	s4 =	sld [smem:$0x3FB2]  }
0x2a: {  	p0 =	seq.s32 s5, $0x0;
	s5 =	sld [smem:$0x3FB3]  }
0x2b: {  	s6 =	sld [smem:$0x3FB4]  }
0x2c: {  	s7 =	sld [smem:$0x3FB5]  }
0x2d: {  	s3 =	simm.s32 $0x108;
	s8 =	sld [smem:$0x3FB6]  }
0x2e: {  	s3 =	simm.s32 @!p0 $0x1082;
	s9 =	sld [smem:$0x3FB7]  }
0x2f: {  	lr =	sadd.s32 s0, s3;
	s0 =	sld [smem:$0x3FAE]  }
0x30: {  	s3 =	sld [smem:$0x3FB1]  }
0x31: {  	[smem:$0x3FBA] =	sst s10  }
0x32: {  	s10 =	sld [smem:$0x3FB8];
	_ =	sdelay $0x3  }
0x33: {  	p0 =	seq.s32 s10, $0x1;
	s10 =	sld [smem:$0x3FBA];
	_ =	sdelay $0x3  }
0x34: {  	[smem:$0x3FBA] =	sst s10  }
0x35: {  	s10 =	sld [smem:$0x3FB9];
	_ =	sdelay $0x3  }
0x36: {  	p1 =	seq.s32 s10, $0x1;
	s10 =	sld [smem:$0x3FBA];
	_ =	sdelay $0x3  }
0x37: {  	[smem:$0x3FBA] =	sst s10  }
0x38: {  	s10 =	sld [smem:$0x3FBB]  }
0x39: {  	_ = 	snop;
	(pc) =	sbr.ind lr, $3  }
0x3a: {  	_ = 	snop  }
0x3b: {  	_ = 	snop  }
0x3c: {  	p2 =	seq.s32 s10, $0x1;
	s10 =	sld [smem:$0x3FBA]  }
0x3d: {  	_ =	shalt  }
0x3e: {  	_ =	shalt  }
0x3f: {  	_ =	shalt  }
0x40: {  	_ =	shalt  }
0x41: {  	_ =	shalt  }
0x42: {  	_ =	shalt  }
0x43: {  	_ =	shalt  }
0x44: {  	_ =	shalt  }
0x45: {  	_ =	shalt  }
0x46: {  	_ =	shalt  }
0x47: {  	_ =	shalt  }
0x48: {  	_ =	shalt  }
0x49: {  	_ =	shalt  }
0x4a: {  	_ =	shalt  }
0x4b: {  	_ =	shalt  }
0x4c: {  	_ =	shalt  }
0x4d: {  	_ =	shalt  }
0x4e: {  	_ =	shalt  }
0x4f: {  	_ =	shalt  }
0x50: {  	_ =	shalt  }
0x51: {  	_ =	shalt  }
0x52: {  	_ =	shalt  }
0x53: {  	_ =	shalt  }
0x54: {  	_ =	shalt  }
0x55: {  	_ =	shalt  }
0x56: {  	_ =	shalt  }
0x57: {  	_ =	shalt  }
0x58: {  	_ =	shalt  }
0x59: {  	_ =	shalt  }
0x5a: {  	_ =	shalt  }
0x5b: {  	_ =	shalt  }
0x5c: {  	_ =	shalt  }
0x5d: {  	_ =	shalt  }
0x5e: {  	_ =	shalt  }
0x5f: {  	_ =	shalt  }
0x60: {  	_ =	shalt  }
0x61: {  	_ =	shalt  }
0x62: {  	_ =	shalt  }
0x63: {  	_ =	shalt  }
0x64: {  	_ =	shalt  }
0x65: {  	_ =	shalt  }
0x66: {  	_ =	shalt  }
0x67: {  	_ =	shalt  }
0x68: {  	_ =	shalt  }
0x69: {  	_ =	shalt  }
0x6a: {  	_ =	shalt  }
0x6b: {  	_ =	shalt  }
0x6c: {  	_ =	shalt  }
0x6d: {  	_ =	shalt  }
0x6e: {  	_ =	shalt  }
0x6f: {  	_ =	shalt  }
0x70: {  	_ =	shalt  }
0x71: {  	_ =	shalt  }
0x72: {  	_ =	shalt  }
0x73: {  	_ =	shalt  }
0x74: {  	_ =	shalt  }
0x75: {  	_ =	shalt  }
0x76: {  	_ =	shalt  }
0x77: {  	_ =	shalt  }
0x78: {  	_ =	shalt  }
0x79: {  	_ =	shalt  }
0x7a: {  	_ =	shalt  }
0x7b: {  	_ =	shalt  }
0x7c: {  	_ =	shalt  }
0x7d: {  	_ =	shalt  }
0x7e: {  	_ =	shalt  }
0x7f: {  	_ =	shalt  }
0x80: {  	_ =	shalt  }
0x81: {  	_ =	shalt  }
0x82: {  	_ =	shalt  }
0x83: {  	_ =	shalt  }
0x84: {  	_ =	shalt  }
0x85: {  	_ =	shalt  }
0x86: {  	_ =	shalt  }
0x87: {  	_ =	shalt  }
.Lfunc_end0:
.L_simem_size_0:
called_computation_lowered:
.L_overlay_start_0:
0x88: {  	s2 =	sld [smem:$0x3FD9]  }
0x89: {  	s3 =	sld [smem:$0x3FFE];
	_ =	sdelay $0x1  }
0x8a: {  	s1 =	srdreg.scid  }
0x8b: {  	s0 =	sand.u32 $0x1, s1  }
0x8c: {  	s17 =	sshll.u32 s0, $0xA;
	s2 =	sadd.s32 s3, s2  }
0x8d: {  	s2 =	sadd.s32 s2, s17  }
0x8e: {  	[smem:$0x3FC6] =	sst s2  }
0x8f: {  	_ = 	snop  }
0x90: {  	s2 =	sld [smem:$0x3FC8]  }
0x91: {  	s18 =	sld [smem:$0x3FD0];
	(tm) =	ssettm $0x1  }
0x92: {  	s4 =	sld [smem:$0x3FFB];
	_ =	sdelay $0x3  }
0x93: {  	_ =	strace s4  }
0x94: {  	s4 =	sld [smem:$0x3FFC];
	_ =	sdelay $0x3  }
0x95: {  	_ =	strace s4  }
0x96: {  	s4 =	sld [smem:$0x3FFD];
	_ =	sdelay $0x3  }
0x97: {  	_ =	strace s4  }
0x98: {  	_ =	strace $0x8FFFFFFF  }
0x99: {  	s19 =	sld [smem:$0x3FDB];
	_ =	sdelay $0x1  }
0x9a: {  	s5 =	simm.s32 $_scs_section_size  }
0x9b: {  	s6 =	simm.s32 $_size__tile_overlayer_lowered;
	s7 =	simm.s32 $_tile_overlayer_lowered  }
0x9c: {  	s22 =	simm.s32 $0x1BFF;
	s21 =	sshll.u32 s7, $0x1;
	s4 =	sadd.s32 s5, s19  }
0x9d: {  	s8 =	simm.s32 $0x0;
	s20 =	sshll.u32 s6, $0x1;
	s6 =	sadd.s32 s21, s4  }
0x9e: {  	[timem:s8], [sflag:s22] =	dma.local [hbm:s6], s20  }
0x9f: {  	_ =	swait.ge [sflag:s22], s20  }
0xa0: {  	s5 =	ssub.s32 $0x0, s20;
	[sflag:s22] =	ssyncset.done $0x0  }
0xa1: {  	[sflag:s22] =	ssyncadd.s32 s5;
	_ =	sdelay $0x1  }
0xa2: {  	s23 =	simm.s32 $0x1B8B  }
0xa3: {  	_ =	swait.ge [sflag:s23], $0x1  }
0xa4: {  	[sflag:s23] =	ssyncset.done $0x0  }
0xa5: {  	s25 =	simm.s32 $0x1B8E;
	s24 =	sld [smem:$0x3FFE];
	[sflag:s23] =	ssyncadd.s32 $0xFFFFFFFF  }
0xa6: {  	s26 =	simm.s32 $execute0_lowered;
	[smem:$0x3FD2] =	sst s25  }
0xa7: {  	s6 =	sshll.u32 s26, $0x1;
	_ =	strace $0x80000046;
	[dreg:$0x1] =	wrdreg $0xFFFFFFFF  }
0xa8: {  	s28 =	simm.s32 $_size_execute0_lowered;
	s4 =	sadd.s32 s4, s6;
	[dreg:$0x0] =	wrdreg $0x0  }
0xa9: {  	s6 =	sshll.u32 s28, $0x1;
	[dreg:$0x2] =	wrdreg s4  }
0xaa: {  	[dreg:$0x3] =	wrdreg s6  }
0xab: {  	[dreg:$0x4] =	wrdreg $0xC0  }
0xac: {  	_ =	task [dreg:s8], $0x5FFFF  }
0xad: {  	[dreg:$0x1] =	wrdreg $0xFFFFFFFF  }
0xae: {  	[dreg:$0x0] =	wrdreg $0x60  }
0xaf: {  	[dreg:$0x2] =	wrdreg s24  }
0xb0: {  	[dreg:$0x3] =	wrdreg s2  }
0xb1: {  	[dreg:$0x4] =	wrdreg s18  }
0xb2: {  	[dreg:$0x5] =	wrdreg $0x9  }
0xb3: {  	_ =	task.clear_ibuf [dreg:s8], $0x6FFFF;
	_ =	strace $0x90000046  }
0xb4: {  	s29 =	simm.s32 $0x9;
	_ =	strace $0x80000048  }
0xb5: {  	_ =	swait.ge [sflag:s29], $0x1  }
0xb6: {  	[sflag:s29] =	ssyncadd.s32 $0xFFFFFFFF  }
0xb7: {  	_ =	strace $0x90000048  }
0xb8: {  	_ =	sfence  }
0xb9: {  	s30 =	sld [smem:$0x0];
	_ =	sdelay $0x2  }
0xba: {  	s31 =	sshll.u32 s1, $0xD;
	s1 =	sshrl.u32 s1, $0x2  }
0xbb: {  	s3 =	sand.u32 $0x4000, s31;
	s1 =	sadd.s32 s1, s30  }
0xbc: {  	s0 =	sor.u32 s3, s0;
	s1 =	sshll.u32 s1, $0x11  }
0xbd: {  	s0 =	sor.u32 s1, s0  }
0xbe: {  	s0 =	sadd.s32 $0x8F2B, s0  }
0xbf: {  	[sflag:s0] =	ssyncadd.remote.s32 $0x1  }
0xc0: {  	_ =	sfence.sel $0xFFFF  }
0xc1: {  	[dreg:$0x0] =	wrdreg $0xFFFFFFFF;
	(pc) =	sbr.abs _section_cstart, $3  }
0xc2: {  	[dreg:$0x1] =	wrdreg $0xFFFFFFFF  }
0xc3: {  	_ =	task.clear_ibuf [dreg:s8], $0x2FFFF;
	_ =	strace $0x9FFFFFFF  }
0xc4: {  	(tm) =	ssettm $0x7FFFFFFF  }
0xc5: {  	_ =	shalt  }
tec
execute0_lowered:
.L_overlay_start_1:
0x0: {  	(tag) =	ssettag $0x1  }
0x1: {  	s0 =	srdreg.scid  }
0x2: {  	s31 =	stileid.u32;
	s4 =	sand.u32 $0x1, s0  }
0x3: {  	s5 =	sor.u32 s31, s4  }
0x4: {  	p0 =	sne.s32 s5, $0x0  }
.Ltmp0:
0x5: {  	_ = 	snop;
	(pc) =	sbr.rel @!p0 .LBB2_1-.Ltmp0, $2  }
0x6: {  	_ =	sdelay $0x2  }
0x7: {  	s1 =	rddreg [dreg:$0x0];
	_ =	strace $0x80000047  }
.LBB2_13:
0x8: {  	_ =	sfence.sel $0x180000  }
0x9: {  	[bflag:$0x0] =	sbarrier.arrive $0xFFFF  }
0xa: {  	_ =	strace $0x90000047  }
0xb: {  	s0 =	stileid.u32;
	[bflag:$0x2] =	sbarrier.arrive $0xFFFF  }
0xc: {  	p0 =	sne.s32 s0, $0x0;
	s0 =	rddreg [dreg:$0x3]  }
0xd: {  	s0 =	sadd.s32 @!p0 $0x100000, s0  }
0xe: {  	[sflag:s0] =	ssyncadd.tile.s32 @!p0 $0x1;
	_ =	shalt  }
.LBB2_1:
0xf: {  	v0 =	vlaneseq.u32  }
0x10: {  	vm0 =	vmmov $0xff;
	v2 =	vand.u32 $0x7, v0  }
0x11: {  	v1 =	vmul.u32 $0x10, v0;
	v35 =	vand.u32 $0x3, v0;
	v36 =	vor.u32 $0x10, v0  }
0x12: {  	v37 =	vor.u32 $0x20, v0;
	v38 =	vor.u32 $0x30, v0;
	v39 =	vor.u32 $0x40, v0  }
0x13: {  	v40 =	vor.u32 $0x50, v0;
	v41 =	vor.u32 $0x60, v0;
	v3 =	vmul.u32 $0x10, v2  }
0x14: {  	v2 =	vimm.f32 $-Inf;
	v4 =	vor.u32 $0x1, v1;
	v5 =	vor.u32 $0x2, v1  }
0x15: {  	v6 =	vor.u32 $0x3, v1;
	v7 =	vor.u32 $0x4, v1;
	v8 =	vor.u32 $0x5, v1  }
0x16: {  	s5 =	ssub.s32 $0x2, s4;
	s4 =	sadd.s32 $0x400, s1;
	v9 =	vor.u32 $0x6, v1;
	v10 =	vor.u32 $0x7, v1;
	v11 =	vor.u32 $0x8, v1  }
0x17: {  	s7 =	simm.s32 $0x4E80;
	s8 =	simm.s32 $0x6280;
	s9 =	simm.s32 $0x1;
	v12 =	vor.u32 $0x9, v1;
	v13 =	vor.u32 $0xA, v1;
	v14 =	vor.u32 $0xB, v1  }
0x18: {  	s10 =	simm.s32 $0x2;
	s11 =	simm.s32 $0x3;
	s12 =	simm.s32 $0x7680;
	v15 =	vor.u32 $0xC, v1;
	v16 =	vor.u32 $0xD, v1;
	v17 =	vor.u32 $0xE, v1  }
0x19: {  	s13 =	simm.s32 $0x7880;
	s14 =	simm.s32 $0x0;
	s15 =	simm.s32 $0x7900;
	v18 =	vor.u32 $0xF, v1;
	v19 =	vor.u32 $0x100, v1;
	v20 =	vor.u32 $0x101, v1  }
.Ltmp1:
0x1a: {  	s16 =	simm.s32 $0x7980;
	s17 =	simm.s32 $0x7A00;
	v21 =	vor.u32 $0x102, v1;
	v22 =	vor.u32 $0x103, v1;
	v23 =	vor.u32 $0x104, v1;
	(pc) =	sbr.rel .LBB2_2-.Ltmp1, $4  }
0x1b: {  	s18 =	simm.s32 $0x7A80;
	s19 =	simm.s32 $0x7B00;
	s20 =	simm.s32 $0x7E00;
	v24 =	vor.u32 $0x105, v1;
	v25 =	vor.u32 $0x106, v1;
	v26 =	vor.u32 $0x107, v1  }
0x1c: {  	s21 =	simm.s32 $0x7B80;
	s22 =	simm.s32 $0x7C00;
	s23 =	simm.s32 $0x7C80;
	v27 =	vor.u32 $0x108, v1;
	v28 =	vor.u32 $0x109, v1;
	v29 =	vor.u32 $0x10A, v1  }
0x1d: {  	s24 =	simm.s32 $0x7D00;
	s25 =	simm.s32 $0x7D80;
	s6 =	sshrl.u32 s5, $0x1;
	v30 =	vor.u32 $0x10B, v1;
	v31 =	vor.u32 $0x10C, v1;
	v32 =	vor.u32 $0x10D, v1  }
0x1e: {  	s26 =	simm.s32 $0x4;
	s5 =	ssub.s32 s5, s6;
	s6 =	simm.s32 $0x0;
	v33 =	vor.u32 $0x10E, v1;
	v34 =	vor.u32 $0x10F, v1;
	v3 =	vor.u32 $0xFFFFFF80, v3  }
.LBB2_12:
0x1f: {  	s6 =	sadd.s32 $0x1, s6  }
0x20: {  	p0 =	sne.s32 s6, s5  }
.Ltmp2:
0x21: {  	s0 =	rddreg [dreg:$0x2];
	(pc) =	sbr.rel @!p0 .LBB2_13-.Ltmp2, $4  }
0x22: {  	[hbm4b:s0+s14] =	stream.linear.scatter [tilespmem:s20], [sflag:$0x4], $0x200, $0x38;
	[tilespmem:$0x8000] =	vst v63  }
0x23: {  	_ =	swait.ge [sflag:s26], $0x200  }
0x24: {  	[sflag:s26] =	ssyncset.done $0x0  }
0x25: {  	[sflag:s26] =	ssyncadd.s32 $0xFFFFFE00  }
.LBB2_2:
0x26: {  	[tilespmem:s14], [sflag:$0x1] =	stream.linear.gather [hbm4b:s4+s14], $0x4E80, $0x38;
	[tilespmem:$0x8000] =	vst v63  }
0x27: {  	s0 =	rddreg [dreg:$0x1]  }
0x28: {  	[tilespmem:s7], [sflag:$0x2] =	stream.linear.gather [hbm4b:s0+s14], $0x1388, $0x38;
	[tilespmem:$0x8000] =	vst v63  }
0x29: {  	_ = 	snop  }
0x2a: {  	[tilespmem:s8], [sflag:$0x3] =	stream.linear.gather [hbm4b:s0+s14], $0x1400, $0x38;
	[tilespmem:$0x8000] =	vst v63  }
0x2b: {  	_ =	swait.ge [sflag:s9], $0x4E80  }
0x2c: {  	[sflag:s9] =	ssyncset.done $0x0  }
0x2d: {  	[sflag:s9] =	ssyncadd.s32 $0xFFFFB180  }
0x2e: {  	_ =	swait.ge [sflag:s10], $0x1388  }
0x2f: {  	[sflag:s10] =	ssyncset.done $0x0  }
0x30: {  	[sflag:s10] =	ssyncadd.s32 $0xFFFFEC78  }
0x31: {  	_ =	swait.ge [sflag:s11], $0x1400  }
0x32: {  	[sflag:s11] =	ssyncset.done $0x0  }
0x33: {  	[sflag:s11] =	ssyncadd.s32 $0xFFFFEC00  }
0x34: {  	v42 =	vld [tilespmem:$0x6200];
	_ =	sdelay $0x1  }
0x35: {  	[tilespmem:$0x6210] =	vst v2  }
0x36: {  	[tilespmem:$0x6220] =	vst v2  }
0x37: {  	[tilespmem:$0x6230] =	vst v2  }
0x38: {  	v62 =	vor.u32 s14, v1;
	v43 =	vor.u32 s14, v4;
	[tilespmem:$0x6240] =	vst v2;
	v42 =	vnsel vm0, $0xFF800000, v42  }
0x39: {  	[tilespmem:$0x6200] =	vst v42;
	v42 =	vand.u32 v3, v62  }
0x3a: {  	v44 =	vor.u32 s14, v5;
	[tilespmem:$0x6250] =	vst v2  }
0x3b: {  	v45 =	vor.u32 s14, v6;
	[tilespmem:$0x6260] =	vst v2  }
0x3c: {  	v46 =	vor.u32 s14, v7;
	[tilespmem:$0x6270] =	vst v2  }
0x3d: {  	v47 =	vor.u32 s14, v8;
	v43 =	vld.idx.msk [tilespmem:v43+s7+$0x0], $0xffff  }
0x3e: {  	v48 =	vor.u32 s14, v9;
	v42 =	vld.idx.msk [tilespmem:v42+s7+$0x0], $0xffff  }
0x3f: {  	v49 =	vor.u32 s14, v10;
	v44 =	vld.idx.msk [tilespmem:v44+s7+$0x0], $0xffff  }
0x40: {  	v50 =	vor.u32 s14, v11;
	v45 =	vld.idx.msk [tilespmem:v45+s7+$0x0], $0xffff  }
0x41: {  	v51 =	vor.u32 s14, v12;
	v46 =	vld.idx.msk [tilespmem:v46+s7+$0x0], $0xffff  }
0x42: {  	v52 =	vor.u32 s14, v13;
	v47 =	vld.idx.msk [tilespmem:v47+s7+$0x0], $0xffff  }
0x43: {  	v53 =	vor.u32 s14, v14;
	v48 =	vld.idx.msk [tilespmem:v48+s7+$0x0], $0xffff;
	v42 =	vmax.f32 v42, v43  }
0x44: {  	v63 =	vor.u32 s14, v15;
	v43 =	vld.idx.msk [tilespmem:v49+s7+$0x0], $0xffff;
	v42 =	vmax.f32 v42, v44  }
0x45: {  	v57 =	vor.u32 s14, v16;
	v56 =	vld.idx.msk [tilespmem:v50+s7+$0x0], $0xffff;
	v42 =	vmax.f32 v42, v45  }
0x46: {  	v59 =	vor.u32 s14, v17;
	v58 =	vld.idx.msk [tilespmem:v51+s7+$0x0], $0xffff;
	v42 =	vmax.f32 v42, v46  }
0x47: {  	v61 =	vor.u32 s14, v18;
	v60 =	vld.idx.msk [tilespmem:v52+s7+$0x0], $0xffff;
	v42 =	vmax.f32 v42, v47  }
0x48: {  	v62 =	vld.idx.msk [tilespmem:v53+s7+$0x0], $0xffff;
	v42 =	vmax.f32 v42, v48  }
0x49: {  	v63 =	vld.idx.msk [tilespmem:v63+s7+$0x0], $0xffff;
	v42 =	vmax.f32 v42, v43  }
0x4a: {  	v49 =	vld.idx.msk [tilespmem:v57+s7+$0x0], $0xffff;
	v42 =	vmax.f32 v42, v56  }
0x4b: {  	v50 =	vld.idx.msk [tilespmem:v59+s7+$0x0], $0xffff;
	v42 =	vmax.f32 v42, v58  }
0x4c: {  	v51 =	vld.idx.msk [tilespmem:v61+s7+$0x0], $0xffff;
	v42 =	vmax.f32 v42, v60  }
0x4d: {  	s1 =	simm.s32 $0x100;
	v42 =	vmax.f32 v42, v62  }
0x4e: {  	v52 =	vor.u32 s1, v1;
	v53 =	vor.u32 s1, v4;
	v42 =	vmax.f32 v42, v63  }
0x4f: {  	v46 =	vand.u32 v3, v52;
	v42 =	vmax.f32 v42, v49  }
0x50: {  	v54 =	vor.u32 s1, v5;
	v42 =	vmax.f32 v42, v50  }
0x51: {  	v55 =	vor.u32 s1, v6;
	v42 =	vmax.f32 v42, v51  }
0x52: {  	v56 =	vor.u32 s1, v7;
	[tilespmem:s12+$0x0] =	vst v42  }
0x53: {  	v57 =	vor.u32 s1, v8;
	v42 =	vld.idx.msk [tilespmem:v53+s7+$0x0], $0xffff  }
0x54: {  	v58 =	vor.u32 s1, v9;
	v46 =	vld.idx.msk [tilespmem:v46+s7+$0x0], $0xffff  }
0x55: {  	v59 =	vor.u32 s1, v10;
	v43 =	vld.idx.msk [tilespmem:v54+s7+$0x0], $0xffff  }
0x56: {  	v60 =	vor.u32 s1, v11;
	v44 =	vld.idx.msk [tilespmem:v55+s7+$0x0], $0xffff  }
0x57: {  	v61 =	vor.u32 s1, v12;
	v45 =	vld.idx.msk [tilespmem:v56+s7+$0x0], $0xffff  }
0x58: {  	v47 =	vld.idx.msk [tilespmem:v57+s7+$0x0], $0xffff  }
0x59: {  	v62 =	vor.u32 s1, v13;
	v48 =	vld.idx.msk [tilespmem:v58+s7+$0x0], $0xffff;
	v42 =	vmax.f32 v46, v42  }
0x5a: {  	v63 =	vor.u32 s1, v14;
	v54 =	vld.idx.msk [tilespmem:v59+s7+$0x0], $0xffff;
	v42 =	vmax.f32 v42, v43  }
0x5b: {  	v55 =	vor.u32 s1, v15;
	v56 =	vld.idx.msk [tilespmem:v60+s7+$0x0], $0xffff;
	v42 =	vmax.f32 v42, v44  }
0x5c: {  	v57 =	vld.idx.msk [tilespmem:v61+s7+$0x0], $0xffff;
	v58 =	vor.u32 s1, v16;
	v42 =	vmax.f32 v42, v45  }
0x5d: {  	v60 =	vor.u32 s1, v17;
	v42 =	vmax.f32 v42, v47  }
0x5e: {  	v59 =	vld.idx.msk [tilespmem:v62+s7+$0x0], $0xffff;
	v62 =	vor.u32 s1, v18;
	v42 =	vmax.f32 v42, v48  }
0x5f: {  	v61 =	vld.idx.msk [tilespmem:v63+s7+$0x0], $0xffff;
	v42 =	vmax.f32 v42, v54  }
0x60: {  	v49 =	vld.idx.msk [tilespmem:v55+s7+$0x0], $0xffff;
	v42 =	vmax.f32 v42, v56  }
0x61: {  	v43 =	vmax.f32 v42, v57;
	v42 =	vld.idx.msk [tilespmem:v58+s7+$0x0], $0xffff  }
0x62: {  	v44 =	vld.idx.msk [tilespmem:v60+s7+$0x0], $0xffff  }
0x63: {  	v45 =	vld.idx.msk [tilespmem:v62+s7+$0x0], $0xffff;
	v43 =	vmax.f32 v43, v59  }
0x64: {  	s28 =	simm.s32 $0x200;
	v63 =	vmax.f32 v43, v61  }
0x65: {  	s29 =	simm.s32 $0x300;
	s1 =	simm.s32 $0x7680;
	v46 =	vor.u32 s28, v1;
	v43 =	vor.u32 s28, v4;
	v47 =	vmax.f32 v63, v49  }
.LBB2_3:
0x66: {  	p0 =	sne.s32 s29, $0x1300;
	v46 =	vand.u32 v3, v46;
	v42 =	vmax.f32 v47, v42  }
0x67: {  	v47 =	vor.u32 s28, v5;
	v42 =	vmax.f32 v42, v44  }
0x68: {  	s1 =	sadd.s32 $0x10, s1;
	v44 =	vor.u32 s28, v6;
	v42 =	vmax.f32 v42, v45  }
0x69: {  	v45 =	vor.u32 s28, v7;
	[tilespmem:s1+$0x0] =	vst v42  }
0x6a: {  	v42 =	vld.idx.msk [tilespmem:v43+s7+$0x0], $0xffff;
	v43 =	vor.u32 s28, v8  }
0x6b: {  	v48 =	vor.u32 s28, v9;
	v46 =	vld.idx.msk [tilespmem:v46+s7+$0x0], $0xffff  }
0x6c: {  	v49 =	vor.u32 s28, v10;
	v47 =	vld.idx.msk [tilespmem:v47+s7+$0x0], $0xffff  }
0x6d: {  	v50 =	vor.u32 s28, v11;
	v44 =	vld.idx.msk [tilespmem:v44+s7+$0x0], $0xffff  }
0x6e: {  	v51 =	vor.u32 s28, v12;
	v45 =	vld.idx.msk [tilespmem:v45+s7+$0x0], $0xffff  }
0x6f: {  	v52 =	vor.u32 s28, v13;
	v43 =	vld.idx.msk [tilespmem:v43+s7+$0x0], $0xffff  }
0x70: {  	v53 =	vor.u32 s28, v14;
	v48 =	vld.idx.msk [tilespmem:v48+s7+$0x0], $0xffff  }
0x71: {  	v42 =	vmax.f32 v46, v42;
	v46 =	vld.idx.msk [tilespmem:v49+s7+$0x0], $0xffff;
	v49 =	vor.u32 s28, v15  }
0x72: {  	v42 =	vmax.f32 v42, v47;
	v47 =	vld.idx.msk [tilespmem:v50+s7+$0x0], $0xffff;
	v50 =	vor.u32 s28, v16  }
0x73: {  	v42 =	vmax.f32 v42, v44;
	v44 =	vor.u32 s28, v17;
	v51 =	vld.idx.msk [tilespmem:v51+s7+$0x0], $0xffff  }
0x74: {  	v42 =	vmax.f32 v42, v45;
	v45 =	vor.u32 s28, v18;
	s28 =	smov.u32 s29;
	v52 =	vld.idx.msk [tilespmem:v52+s7+$0x0], $0xffff  }
0x75: {  	v42 =	vmax.f32 v42, v43;
	v43 =	vld.idx.msk [tilespmem:v53+s7+$0x0], $0xffff  }
0x76: {  	v42 =	vmax.f32 v42, v48;
	v48 =	vld.idx.msk [tilespmem:v49+s7+$0x0], $0xffff  }
0x77: {  	v46 =	vmax.f32 v42, v46;
	v42 =	vld.idx.msk [tilespmem:v50+s7+$0x0], $0xffff  }
.Ltmp3:
0x78: {  	v46 =	vmax.f32 v46, v47;
	v44 =	vld.idx.msk [tilespmem:v44+s7+$0x0], $0xffff;
	(pc) =	sbr.rel @p0 .LBB2_3-.Ltmp3, $4  }
0x79: {  	v46 =	vmax.f32 v46, v51;
	v45 =	vld.idx.msk [tilespmem:v45+s7+$0x0], $0xffff  }
0x7a: {  	v46 =	vmax.f32 v46, v52  }
0x7b: {  	v47 =	vmax.f32 v46, v43  }
0x7c: {  	s29 =	sadd.s32 $0x100, s29;
	v46 =	vor.u32 s28, v1;
	v43 =	vor.u32 s28, v4;
	v47 =	vmax.f32 v47, v48  }
0x7d: {  	v46 =	vand.u32 v3, v46;
	v42 =	vmax.f32 v47, v42  }
0x7e: {  	v58 =	vor.u32 s28, v5;
	v42 =	vmax.f32 v42, v44  }
0x7f: {  	v59 =	vor.u32 s28, v6;
	s1 =	sadd.s32 $0x10, s1;
	v42 =	vmax.f32 v42, v45  }
0x80: {  	v60 =	vor.u32 s28, v7;
	[tilespmem:s1+$0x0] =	vst v42  }
0x81: {  	v61 =	vor.u32 s28, v8;
	v42 =	vld.idx.msk [tilespmem:v43+s7+$0x0], $0xffff  }
0x82: {  	v48 =	vor.u32 s28, v9;
	v46 =	vld.idx.msk [tilespmem:v46+s7+$0x0], $0xffff  }
0x83: {  	v49 =	vor.u32 s28, v10;
	v47 =	vld.idx.msk [tilespmem:v58+s7+$0x0], $0xffff  }
0x84: {  	v50 =	vor.u32 s28, v11;
	v44 =	vld.idx.msk [tilespmem:v59+s7+$0x0], $0xffff  }
0x85: {  	v51 =	vor.u32 s28, v12;
	v45 =	vld.idx.msk [tilespmem:v60+s7+$0x0], $0xffff  }
0x86: {  	v52 =	vor.u32 s28, v13;
	v43 =	vld.idx.msk [tilespmem:v61+s7+$0x0], $0xffff  }
0x87: {  	v53 =	vor.u32 s28, v14;
	v48 =	vld.idx.msk [tilespmem:v48+s7+$0x0], $0xffff;
	v42 =	vmax.f32 v46, v42  }
0x88: {  	v62 =	vor.u32 s28, v15;
	v46 =	vld.idx.msk [tilespmem:v49+s7+$0x0], $0xffff;
	v42 =	vmax.f32 v42, v47  }
0x89: {  	v63 =	vor.u32 s28, v16;
	v47 =	vld.idx.msk [tilespmem:v50+s7+$0x0], $0xffff;
	v42 =	vmax.f32 v42, v44  }
0x8a: {  	v57 =	vor.u32 s28, v17;
	v56 =	vld.idx.msk [tilespmem:v51+s7+$0x0], $0xffff;
	v42 =	vmax.f32 v42, v45  }
0x8b: {  	v58 =	vld.idx.msk [tilespmem:v52+s7+$0x0], $0xffff;
	v59 =	vor.u32 s28, v18;
	v42 =	vmax.f32 v42, v43  }
0x8c: {  	v60 =	vld.idx.msk [tilespmem:v53+s7+$0x0], $0xffff;
	v42 =	vmax.f32 v42, v48  }
0x8d: {  	v61 =	vld.idx.msk [tilespmem:v62+s7+$0x0], $0xffff;
	v42 =	vmax.f32 v42, v46  }
0x8e: {  	v62 =	vld.idx.msk [tilespmem:v63+s7+$0x0], $0xffff;
	v42 =	vmax.f32 v42, v47  }
0x8f: {  	v63 =	vld.idx.msk [tilespmem:v57+s7+$0x0], $0xffff;
	v42 =	vmax.f32 v42, v56  }
0x90: {  	v49 =	vld.idx.msk [tilespmem:v59+s7+$0x0], $0xffff;
	v42 =	vmax.f32 v42, v58  }
0x91: {  	v42 =	vmax.f32 v42, v60  }
0x92: {  	v42 =	vmax.f32 v42, v61  }
0x93: {  	v42 =	vmax.f32 v42, v62  }
0x94: {  	v42 =	vmax.f32 v42, v63  }
0x95: {  	s1 =	sadd.s32 $0x10, s1;
	v42 =	vmax.f32 v42, v49  }
0x96: {  	[tilespmem:s1+$0x0] =	vst v42  }
0x97: {  	[tilespmem:$0x77C0] =	vst v2  }
0x98: {  	[tilespmem:$0x77D0] =	vst v2  }
0x99: {  	[tilespmem:$0x77E0] =	vst v2  }
0x9a: {  	[tilespmem:$0x77F0] =	vst v2  }
0x9b: {  	[tilespmem:$0x7800] =	vst v2  }
0x9c: {  	[tilespmem:$0x7810] =	vst v2  }
0x9d: {  	[tilespmem:$0x7820] =	vst v2  }
0x9e: {  	[tilespmem:$0x7830] =	vst v2  }
0x9f: {  	[tilespmem:$0x7840] =	vst v2  }
0xa0: {  	[tilespmem:$0x7850] =	vst v2  }
0xa1: {  	[tilespmem:$0x7860] =	vst v2  }
0xa2: {  	[tilespmem:$0x7870] =	vst v2  }
0xa3: {  	v42 =	vld.idx.msk [tilespmem:v1+s12+$0x0], $0xffff  }
0xa4: {  	v50 =	vld.idx.msk [tilespmem:v4+s12+$0x0], $0xffff  }
0xa5: {  	v51 =	vld.idx.msk [tilespmem:v5+s12+$0x0], $0xffff  }
0xa6: {  	v52 =	vld.idx.msk [tilespmem:v6+s12+$0x0], $0xffff  }
0xa7: {  	v53 =	vld.idx.msk [tilespmem:v7+s12+$0x0], $0xffff  }
0xa8: {  	v54 =	vld.idx.msk [tilespmem:v8+s12+$0x0], $0xffff  }
0xa9: {  	v55 =	vld.idx.msk [tilespmem:v9+s12+$0x0], $0xffff;
	v42 =	vmax.f32 v42, v50  }
0xaa: {  	v56 =	vld.idx.msk [tilespmem:v10+s12+$0x0], $0xffff;
	v42 =	vmax.f32 v42, v51  }
0xab: {  	v57 =	vld.idx.msk [tilespmem:v11+s12+$0x0], $0xffff;
	v42 =	vmax.f32 v42, v52  }
0xac: {  	v58 =	vld.idx.msk [tilespmem:v12+s12+$0x0], $0xffff;
	v42 =	vmax.f32 v42, v53  }
0xad: {  	v59 =	vld.idx.msk [tilespmem:v13+s12+$0x0], $0xffff;
	v42 =	vmax.f32 v42, v54  }
0xae: {  	v60 =	vld.idx.msk [tilespmem:v14+s12+$0x0], $0xffff;
	v42 =	vmax.f32 v42, v55  }
0xaf: {  	v61 =	vld.idx.msk [tilespmem:v15+s12+$0x0], $0xffff;
	v42 =	vmax.f32 v42, v56  }
0xb0: {  	v62 =	vld.idx.msk [tilespmem:v16+s12+$0x0], $0xffff;
	v42 =	vmax.f32 v42, v57  }
0xb1: {  	v63 =	vld.idx.msk [tilespmem:v17+s12+$0x0], $0xffff;
	v42 =	vmax.f32 v42, v58  }
0xb2: {  	v48 =	vld.idx.msk [tilespmem:v18+s12+$0x0], $0xffff;
	v42 =	vmax.f32 v42, v59  }
0xb3: {  	v42 =	vmax.f32 v42, v60  }
0xb4: {  	v42 =	vmax.f32 v42, v61  }
0xb5: {  	v42 =	vmax.f32 v42, v62  }
0xb6: {  	v42 =	vmax.f32 v42, v63  }
0xb7: {  	v42 =	vmax.f32 v42, v48  }
0xb8: {  	[tilespmem:$0x7880] =	vst v42  }
0xb9: {  	v42 =	vld.idx.msk [tilespmem:v19+s12+$0x0], $0xffff  }
0xba: {  	v49 =	vld.idx.msk [tilespmem:v20+s12+$0x0], $0xffff  }
0xbb: {  	v50 =	vld.idx.msk [tilespmem:v21+s12+$0x0], $0xffff  }
0xbc: {  	v51 =	vld.idx.msk [tilespmem:v22+s12+$0x0], $0xffff  }
0xbd: {  	v52 =	vld.idx.msk [tilespmem:v23+s12+$0x0], $0xffff  }
0xbe: {  	v53 =	vld.idx.msk [tilespmem:v24+s12+$0x0], $0xffff  }
0xbf: {  	v54 =	vld.idx.msk [tilespmem:v25+s12+$0x0], $0xffff;
	v42 =	vmax.f32 v42, v49  }
0xc0: {  	v55 =	vld.idx.msk [tilespmem:v26+s12+$0x0], $0xffff;
	v42 =	vmax.f32 v42, v50  }
0xc1: {  	v56 =	vld.idx.msk [tilespmem:v27+s12+$0x0], $0xffff;
	v42 =	vmax.f32 v42, v51  }
0xc2: {  	v57 =	vld.idx.msk [tilespmem:v28+s12+$0x0], $0xffff;
	v42 =	vmax.f32 v42, v52  }
0xc3: {  	v58 =	vld.idx.msk [tilespmem:v29+s12+$0x0], $0xffff;
	v42 =	vmax.f32 v42, v53  }
0xc4: {  	v59 =	vld.idx.msk [tilespmem:v30+s12+$0x0], $0xffff;
	v42 =	vmax.f32 v42, v54  }
0xc5: {  	v60 =	vld.idx.msk [tilespmem:v31+s12+$0x0], $0xffff;
	v42 =	vmax.f32 v42, v55  }
0xc6: {  	v61 =	vld.idx.msk [tilespmem:v32+s12+$0x0], $0xffff;
	v42 =	vmax.f32 v42, v56  }
0xc7: {  	v62 =	vld.idx.msk [tilespmem:v33+s12+$0x0], $0xffff;
	v42 =	vmax.f32 v42, v57  }
0xc8: {  	v63 =	vld.idx.msk [tilespmem:v34+s12+$0x0], $0xffff;
	v42 =	vmax.f32 v42, v58  }
0xc9: {  	v42 =	vmax.f32 v42, v59  }
0xca: {  	v42 =	vmax.f32 v42, v60  }
0xcb: {  	v42 =	vmax.f32 v42, v61  }
0xcc: {  	v42 =	vmax.f32 v42, v62  }
0xcd: {  	v42 =	vmax.f32 v42, v63  }
0xce: {  	s28 =	simm.s32 $0x0;
	s1 =	simm.s32 $0x0;
	[tilespmem:$0x7890] =	vst v42  }
.LBB2_5:
0xcf: {  	v43 =	vld [tilespmem:$0x7880]  }
0xd0: {  	v44 =	vld [tilespmem:$0x7890];
	_ =	sdelay $0x4  }
0xd1: {  	v42 =	vmax.f32 v43, v44  }
0xd2: {  	(xrf0) =	vmax.scan.msk.f32 $0xffff, v42;
	_ =	sdelay $0x5  }
0xd3: {  	v45, _, _ =	vpop (xrf0)  }
0xd4: {  	v42 =	vbroadcast v45, $0xF;
	_ =	sdelay $0x1  }
0xd5: {  	vm1 =	veq.f32 v43, v42  }
0xd6: {  	vm2 =	veq.f32 v44, v42;
	v43 =	vmctz.xlane vm1  }
0xd7: {  	(v2sf) =	vpush v45, $0xF;
	v44 =	vmctz.xlane vm2  }
0xd8: {  	v51 =	vmpcnt.ones.xlane vm1;
	(v2sf) =	vpush v43, $0x0  }
0xd9: {  	(v2sf) =	vpush v44, $0x0  }
0xda: {  	(v2sf) =	vpush v51, $0x0;
	_ =	sdelay $0xb  }
0xdb: {  	s30 =	spop (v2sf)  }
0xdc: {  	s29 =	spop (v2sf)  }
0xdd: {  	s31 =	spop (v2sf)  }
0xde: {  	s0 =	spop (v2sf)  }
0xdf: {  	p0 =	sgt.s32 s0, $0x0;
	s0 =	sadd.s32 $0x10, s31  }
0xe0: {  	s0 =	smov.u32 @p0 s29  }
0xe1: {  	s29 =	sshll.u32 s0, $0x4  }
0xe2: {  	v52 =	vld [tilespmem:s29+$0x7680];
	_ =	sdelay $0x4  }
0xe3: {  	vm1 =	veq.f32 v52, v42  }
0xe4: {  	v43 =	vmctz.xlane vm1;
	_ =	sdelay $0x1  }
0xe5: {  	(v2sf) =	vpush v43, $0x0;
	_ =	sdelay $0xe  }
0xe6: {  	s3 =	spop (v2sf)  }
0xe7: {  	s31 =	sadd.s32 s3, s29  }
0xe8: {  	s3 =	sshll.u32 s31, $0x4  }
0xe9: {  	v53 =	vld [tilespmem:s3+$0x4E80];
	_ =	sdelay $0x4  }
0xea: {  	vm1 =	veq.f32 v53, v42  }
0xeb: {  	v43 =	vmctz.xlane vm1;
	_ =	sdelay $0x1  }
0xec: {  	(v2sf) =	vpush v43, $0x0;
	_ =	sdelay $0xe  }
0xed: {  	s2 =	spop (v2sf)  }
0xee: {  	s2 =	sadd.s32 s2, s3  }
0xef: {  	v54 =	vmov s2;
	_ =	sdelay $0x4  }
0xf0: {  	[tilespmem:v54+s7+$0x0] =	vst.idx.msk $0xffff, v2  }
0xf1: {  	v43 =	vld [tilespmem:s3+$0x4E80];
	_ =	sdelay $0x4  }
0xf2: {  	(xrf0) =	vmax.scan.msk.f32 $0xffff, v43;
	_ =	sdelay $0x3  }
0xf3: {  	v55 =	vmov s31;
	_ =	sdelay $0x1  }
0xf4: {  	v56, _, _ =	vpop (xrf0)  }
0xf5: {  	v44 =	vbroadcast v56, $0xF;
	_ =	sdelay $0x1  }
0xf6: {  	[tilespmem:v55+s12+$0x0] =	vst.idx.msk $0xffff, v44  }
0xf7: {  	v43 =	vld [tilespmem:s29+$0x7680];
	_ =	sdelay $0x4  }
0xf8: {  	(xrf0) =	vmax.scan.msk.f32 $0xffff, v43;
	_ =	sdelay $0x3  }
0xf9: {  	v57 =	vmov s0;
	s2 =	sshll.u32 s2, $0x2  }
0xfa: {  	v58 =	vor.u32 s2, v35  }
0xfb: {  	v59, _, _ =	vpop (xrf0)  }
0xfc: {  	v45 =	vbroadcast v59, $0xF;
	_ =	sdelay $0x1  }
0xfd: {  	[tilespmem:v57+s13+$0x0] =	vst.idx.msk $0xffff, v45  }
0xfe: {  	v46 =	vld.idx.msk [tilespmem:v58+s14+$0x0], $0xffff;
	_ =	sdelay $0x4  }
0xff: {  	(v2sf) =	vpush v46, $0x0  }
0x100: {  	(v2sf) =	vpush v46, $0x1  }
0x101: {  	(v2sf) =	vpush v46, $0x2  }
0x102: {  	(v2sf) =	vpush v46, $0x3  }
0x103: {  	v47 =	vld [tilespmem:$0x7900]  }
0x104: {  	v48 =	vld [tilespmem:$0x7980]  }
0x105: {  	v49 =	vld [tilespmem:$0x7A00]  }
0x106: {  	v50 =	vld [tilespmem:$0x7A80]  }
0x107: {  	v51 =	vld [tilespmem:$0x7B00]  }
0x108: {  	v52 =	vld [tilespmem:$0x7910]  }
0x109: {  	v54 =	vld [tilespmem:$0x7A10]  }
0x10a: {  	v55 =	vld [tilespmem:$0x7A90]  }
0x10b: {  	v59 =	vld [tilespmem:$0x7A20]  }
0x10c: {  	v57 =	vld [tilespmem:$0x7920];
	v43 =	vbroadcast v46, $0x2;
	v45 =	vbroadcast v46, $0x0  }
0x10d: {  	v53 =	vld [tilespmem:$0x7990];
	v44 =	vbroadcast v46, $0x3  }
0x10e: {  	v56 =	vld [tilespmem:$0x7B10];
	v49 =	vmin.f32 v49, v43;
	v47 =	vmax.f32 v47, v45;
	s3 =	spop (v2sf)  }
0x10f: {  	v58 =	vld [tilespmem:$0x79A0];
	v60 =	vmin.f32 v50, v44;
	v61 =	vmin.f32 v54, v43;
	v52 =	vmax.f32 v52, v45;
	s2 =	spop (v2sf)  }
0x110: {  	v50 =	vld [tilespmem:$0x7AA0];
	v62 =	vmin.f32 v55, v44;
	v59 =	vmin.f32 v59, v43;
	v46 =	vbroadcast v46, $0x1;
	s31 =	spop (v2sf)  }
0x111: {  	v54 =	vld [tilespmem:$0x7B20];
	v57 =	vmax.f32 v57, v45;
	v47 =	vsub.f32 v49, v47;
	v49 =	vsub.f32 v61, v52;
	s29 =	spop (v2sf);
	s0 =	ssub.f32 s31, s3  }
0x112: {  	v55 =	vld [tilespmem:$0x7930];
	v63 =	vsub.f32 v59, v57;
	v48 =	vmax.f32 v48, v46;
	v53 =	vmax.f32 v53, v46;
	s2 =	ssub.f32 s29, s2  }
0x113: {  	v61 =	vld [tilespmem:$0x7B30];
	v48 =	vsub.f32 v60, v48;
	v52 =	vsub.f32 v62, v53  }
0x114: {  	v57 =	vld [tilespmem:$0x7940];
	v47 =	vmax.f32 v47, $0.0e+00;
	v49 =	vmax.f32 v49, $0.0e+00;
	v58 =	vmax.f32 v58, v46;
	s31 =	smul.f32 s2, s0  }
0x115: {  	v59 =	vld [tilespmem:$0x7A40];
	v50 =	vmin.f32 v50, v44;
	v48 =	vmax.f32 v48, $0.0e+00;
	v52 =	vmax.f32 v52, $0.0e+00  }
0x116: {  	v50 =	vsub.f32 v50, v58;
	v47 =	vmul.f32 v48, v47;
	v48 =	vadd.f32 s31, v51;
	v51 =	vld [tilespmem:$0x7A30]  }
0x117: {  	v53 =	vld [tilespmem:$0x79B0];
	v49 =	vmul.f32 v52, v49  }
0x118: {  	v60 =	vld [tilespmem:$0x7AB0];
	v52 =	vmax.f32 v63, $0.0e+00;
	v50 =	vmax.f32 v50, $0.0e+00;
	v56 =	vadd.f32 s31, v56  }
0x119: {  	v62 =	vld [tilespmem:$0x7B40];
	v50 =	vmul.f32 v50, v52;
	v52 =	vadd.f32 s31, v54;
	v48 =	vsub.f32 v48, v47  }
0x11a: {  	v55 =	vmax.f32 v55, v45;
	v58 =	vld [tilespmem:$0x79C0];
	v56 =	vsub.f32 v56, v49  }
0x11b: {  	v63 =	vld [tilespmem:$0x7950];
	v52 =	vsub.f32 v52, v50;
	v48 =	vadd.f32 $9.999999710e-10, v48;
	v51 =	vmin.f32 v51, v43  }
0x11c: {  	v53 =	vmax.f32 v53, v46;
	v54 =	vld [tilespmem:$0x7AC0];
	v56 =	vadd.f32 $9.999999710e-10, v56;
	v51 =	vsub.f32 v51, v55  }
0x11d: {  	v55 =	vmin.f32 v60, v44;
	v60 =	vld [tilespmem:$0x79D0];
	(erf) = vrcp.f32 v48;
	v48 =	vadd.f32 $9.999999710e-10, v52  }
0x11e: {  	v52 =	vsub.f32 v55, v53;
	v53 =	vld [tilespmem:$0x7A50];
	(erf) = vrcp.f32 v56  }
0x11f: {  	v55 =	vld [tilespmem:$0x7AD0];
	(erf) = vrcp.f32 v48  }
0x120: {  	v48 =	vmax.f32 v51, $0.0e+00;
	v51 =	vmin.f32 v59, v43;
	v59 =	vld [tilespmem:$0x7AE0];
	v56 =	vmax.f32 v52, $0.0e+00  }
0x121: {  	v52 =	vld [tilespmem:$0x7960];
	v48 =	vmul.f32 v56, v48;
	v56 =	vmax.f32 v57, v45  }
0x122: {  	v54 =	vmin.f32 v54, v44;
	v57 =	vld [tilespmem:$0x7A60];
	v51 =	vsub.f32 v51, v56;
	v56 =	vmax.f32 v58, v46  }
0x123: {  	v63 =	vmax.f32 v63, v45;
	v58 =	vld [tilespmem:$0x79E0];
	v60 =	vmax.f32 v60, v46;
	v54 =	vsub.f32 v54, v56  }
0x124: {  	v53 =	vmin.f32 v53, v43;
	v56 =	vadd.f32 s31, v61;
	v55 =	vmin.f32 v55, v44  }
0x125: {  	v53 =	vsub.f32 v53, v63;
	v51 =	vmax.f32 v51, $0.0e+00;
	v55 =	vsub.f32 v55, v60  }
0x126: {  	v60 =	vld [tilespmem:$0x7B50];
	v63 =	vadd.f32 s31, v62;
	v59 =	vmin.f32 v59, v44;
	v54 =	vmax.f32 v54, $0.0e+00  }
0x127: {  	v52 =	vmax.f32 v52, v45;
	v61 =	vsub.f32 v56, v48;
	v56 =	vld [tilespmem:$0x7B60];
	v57 =	vmin.f32 v57, v43  }
0x128: {  	v51 =	vmul.f32 v54, v51;
	v53 =	vmax.f32 v53, $0.0e+00;
	v58 =	vmax.f32 v58, v46  }
0x129: {  	v55 =	vmax.f32 v55, $0.0e+00;
	v52 =	vsub.f32 v57, v52;
	v58 =	vsub.f32 v59, v58  }
0x12a: {  	v53 =	vmul.f32 v55, v53;
	v54 =	vadd.f32 $9.999999710e-10, v61;
	v61 =	vsub.f32 v63, v51  }
0x12b: {  	v62 =	vadd.f32 s31, v60;
	v52 =	vmax.f32 v52, $0.0e+00;
	v58 =	vmax.f32 v58, $0.0e+00  }
0x12c: {  	v56 =	vadd.f32 s31, v56;
	v52 =	vmul.f32 v58, v52  }
0x12d: {  	v63 =	vadd.f32 $9.999999710e-10, v61;
	v60 =	vsub.f32 v62, v53  }
0x12e: {  	(erf) = vrcp.f32 v54;
	v56 =	vsub.f32 v56, v52  }
0x12f: {  	(erf) = vrcp.f32 v63;
	v61 =	vadd.f32 $9.999999710e-10, v60  }
0x130: {  	v56 =	vadd.f32 $9.999999710e-10, v56  }
0x131: {  	v62 =	vpop (erf);
	(erf) = vrcp.f32 v61  }
0x132: {  	v63 =	vpop (erf);
	(erf) = vrcp.f32 v56;
	_ =	sdelay $0x1  }
0x133: {  	v58 =	vmov s1;
	v47 =	vmul.f32 v62, v47  }
0x134: {  	vm3 =	vgt.u32 v58, v0;
	vm4 =	vgt.u32 v58, v36;
	v49 =	vmul.f32 v63, v49;
	v57 =	vpop (erf)  }
0x135: {  	vm12 =	vgt.u32 v58, v37;
	vm1 =	vgt.f32 v47, $5.000000000e-01;
	v59 =	vmul.f32 v57, v50  }
0x136: {  	vm13 =	vgt.u32 v58, v38;
	vm2 =	vgt.f32 v49, $5.000000000e-01;
	vm1 =	vmand vm3, vm1;
	v60 =	vpop (erf)  }
0x137: {  	vm2 =	vmand vm4, vm2;
	vm3 =	vgt.f32 v59, $5.000000000e-01;
	v48 =	vmul.f32 v60, v48;
	v61 =	vpop (erf)  }
0x138: {  	vm1 =	vmor vm1, vm2;
	vm2 =	vmand vm12, vm3;
	v62 =	vmul.f32 v61, v51  }
0x139: {  	vm14 =	vgt.u32 v58, v39;
	vm1 =	vmor vm1, vm2;
	vm3 =	vgt.f32 v48, $5.000000000e-01;
	v63 =	vpop (erf)  }
0x13a: {  	vm2 =	vmand vm13, vm3;
	vm3 =	vgt.f32 v62, $5.000000000e-01;
	v53 =	vmul.f32 v63, v53;
	v54 =	vpop (erf)  }
0x13b: {  	vm1 =	vmor vm1, vm2;
	vm2 =	vmand vm14, vm3;
	v49 =	vmul.f32 v54, v52  }
0x13c: {  	vm3 =	vgt.u32 v58, v40;
	vm1 =	vmor vm1, vm2;
	vm2 =	vgt.f32 v53, $5.000000000e-01  }
0x13d: {  	vm15 =	vgt.u32 v58, v41;
	vm2 =	vmand vm3, vm2;
	vm3 =	vgt.f32 v49, $5.000000000e-01  }
0x13e: {  	vm1 =	vmor vm1, vm2;
	vm2 =	vmand vm15, vm3  }
0x13f: {  	vm1 =	vmor vm1, vm2  }
0x140: {  	v55 =	vmpcnt.ones.xlane vm1;
	_ =	sdelay $0x1  }
0x141: {  	(v2sf) =	vpush v55, $0x0;
	_ =	sdelay $0xd  }
0x142: {  	p6 =	slt.f32 s30, $5.000000070e-02  }
0x143: {  	s2 =	spop (v2sf)  }
0x144: {  	p0 =	por !p6, !p6;
	p1 =	seq.s32 s2, $0x0  }
0x145: {  	p2 =	por !p0, !p1  }
0x146: {  	p2 =	por !p2, !p2  }
0x147: {  	s29 =	smov.u32 s1;
	s1 =	simm.s32 @!p2 $0x6F  }
0x148: {  	v56 =	vmov s1;
	_ =	sdelay $0x1  }
0x149: {  	s1 =	smul.u32 $0x5, s29;
	_ =	sdelay $0x1  }
0x14a: {  	p4 =	slt.s32 s28, $0x64;
	p3 =	sgt.s32 s2, $0x0;
	s1 =	simm.s32 @!p2 $0x1F9  }
0x14b: {  	p3 =	por !p4, !p3;
	v57 =	vmov s1;
	s3 =	sadd.s32 $0x1, s1;
	[tilespmem:v56+s15+$0x0] =	vst.idx.msk $0xffff, v45  }
0x14c: {  	p3 =	por !p3, !p3;
	s2 =	sadd.s32 $0x2, s1;
	v58 =	vmov s3;
	[tilespmem:v56+s16+$0x0] =	vst.idx.msk $0xffff, v46  }
0x14d: {  	s0 =	simm.s32 $0x1;
	p3 =	por !p0, !p3;
	v59 =	vmov s2;
	s3 =	sadd.s32 $0x3, s1;
	[tilespmem:v56+s17+$0x0] =	vst.idx.msk $0xffff, v43  }
0x14e: {  	v60 =	vmov s31;
	p3 =	por !p3, !p3;
	s31 =	sadd.s32 $0x4, s1;
	s1 =	smov.u32 s28;
	v61 =	vmov s3;
	[tilespmem:v56+s18+$0x0] =	vst.idx.msk $0xffff, v44  }
0x14f: {  	s0 =	simm.s32 @!p2 $0x0;
	v62 =	vmov s31;
	s1 =	simm.s32 @!p3 $0x6F;
	[tilespmem:v56+s19+$0x0] =	vst.idx.msk $0xffff, v60  }
0x150: {  	v63 =	vmov s1;
	s1 =	sadd.s32 s0, s29;
	[tilespmem:v57+s20+$0x0] =	vst.idx.msk $0xffff, v45  }
0x151: {  	p2 =	sgt.u32 s1, $0x63;
	[tilespmem:v58+s20+$0x0] =	vst.idx.msk $0xffff, v46  }
0x152: {  	p4 =	slt.f32 @!p2 s30, $5.000000070e-02;
	[tilespmem:v59+s20+$0x0] =	vst.idx.msk $0xffff, v43  }
0x153: {  	s0 =	simm.s32 $0x1;
	[tilespmem:v61+s20+$0x0] =	vst.idx.msk $0xffff, v44  }
0x154: {  	s0 =	simm.s32 @!p3 $0x0;
	p3 =	por p2, p4;
	[tilespmem:v62+s20+$0x0] =	vst.idx.msk $0xffff, v42  }
.Ltmp4:
0x155: {  	[tilespmem:v63+s21+$0x0] =	vst.idx.msk $0xffff, v45;
	(pc) =	sbr.rel @!p3 .LBB2_5-.Ltmp4, $4  }
0x156: {  	[tilespmem:v63+s22+$0x0] =	vst.idx.msk $0xffff, v46  }
0x157: {  	[tilespmem:v63+s23+$0x0] =	vst.idx.msk $0xffff, v43  }
0x158: {  	[tilespmem:v63+s24+$0x0] =	vst.idx.msk $0xffff, v44  }
0x159: {  	s28 =	sadd.s32 s0, s28;
	[tilespmem:v63+s25+$0x0] =	vst.idx.msk $0xffff, v42  }
0x15a: {  	p3 =	slt.s32 @!p2 s28, $0x1  }
0x15b: {  	p3 =	por p2, p3  }
.Ltmp5:
0x15c: {  	_ = 	snop;
	(pc) =	sbr.rel @p3 .LBB2_7-.Ltmp5, $1  }
0x15d: {  	_ =	sdelay $0x3  }
0x15e: {  	s1 =	simm.s32 $0x1;
	s30 =	simm.s32 $0x1  }
0x15f: {  	s1 =	simm.s32 @!p0 $0x0;
	s30 =	simm.s32 @!p1 $0x0  }
0x160: {  	s1 =	smin.u32 s1, s30  }
0x161: {  	s1 =	sadd.s32 s1, s29  }
0x162: {  	s29 =	smul.u32 $0x5, s1;
	_ =	sdelay $0x1  }
0x163: {  	s30 =	sadd.s32 $0x4, s29;
	s29 =	simm.s32 $0x0  }
.LBB2_15:
0x164: {  	v42 =	vmov s29;
	_ =	sdelay $0x4  }
0x165: {  	v43 =	vld.idx.msk [tilespmem:v42+s21+$0x0], $0xffff  }
0x166: {  	s0 =	sadd.s32 $0xFFFFFFFC, s30  }
0x167: {  	v44 =	vmov s0;
	_ =	sdelay $0x2  }
0x168: {  	v43 =	vbroadcast v43, $0x0;
	_ =	sdelay $0x1  }
0x169: {  	[tilespmem:v44+s20+$0x0] =	vst.idx.msk $0xffff, v43  }
0x16a: {  	v43 =	vld.idx.msk [tilespmem:v42+s22+$0x0], $0xffff  }
0x16b: {  	s31 =	sadd.s32 $0xFFFFFFFD, s30  }
0x16c: {  	v60 =	vmov s31;
	_ =	sdelay $0x2  }
0x16d: {  	v43 =	vbroadcast v43, $0x0;
	_ =	sdelay $0x1  }
0x16e: {  	[tilespmem:v60+s20+$0x0] =	vst.idx.msk $0xffff, v43  }
0x16f: {  	v43 =	vld.idx.msk [tilespmem:v42+s23+$0x0], $0xffff  }
0x170: {  	s2 =	sadd.s32 $0xFFFFFFFE, s30  }
0x171: {  	v61 =	vmov s2;
	_ =	sdelay $0x2  }
0x172: {  	v43 =	vbroadcast v43, $0x0;
	_ =	sdelay $0x1  }
0x173: {  	[tilespmem:v61+s20+$0x0] =	vst.idx.msk $0xffff, v43  }
0x174: {  	v43 =	vld.idx.msk [tilespmem:v42+s24+$0x0], $0xffff  }
0x175: {  	s3 =	sadd.s32 $0xFFFFFFFF, s30  }
0x176: {  	v62 =	vmov s3;
	_ =	sdelay $0x2  }
0x177: {  	v43 =	vbroadcast v43, $0x0;
	_ =	sdelay $0x1  }
0x178: {  	s31 =	sadd.s32 s29, s1;
	[tilespmem:v62+s20+$0x0] =	vst.idx.msk $0xffff, v43  }
0x179: {  	s29 =	sadd.s32 $0x1, s29;
	p0 =	sgt.u32 s31, $0x62;
	v42 =	vld.idx.msk [tilespmem:v42+s25+$0x0], $0xffff  }
0x17a: {  	p1 =	slt.s32 @!p0 s29, s28  }
0x17b: {  	v63 =	vmov s30;
	p0 =	por p0, !p1  }
.Ltmp6:
0x17c: {  	_ = 	snop;
	(pc) =	sbr.rel @!p0 .LBB2_15-.Ltmp6, $3  }
0x17d: {  	_ = 	snop  }
0x17e: {  	v42 =	vbroadcast v42, $0x0;
	_ =	sdelay $0x1  }
0x17f: {  	s30 =	sadd.s32 $0x5, s30;
	[tilespmem:v63+s20+$0x0] =	vst.idx.msk $0xffff, v42  }
.Ltmp7:
0x180: {  	(pc) =	sbr.rel .LBB2_9-.Ltmp7, $2  }
0x181: {  	_ =	sdelay $0x2  }
0x182: {  	s1 =	sadd.s32 s29, s1  }
.LBB2_7:
0x183: {  	s1 =	smov.u32 @p2 s1  }
.LBB2_9:
0x184: {  	p0 =	slt.u32 s1, $0x64  }
.Ltmp8:
0x185: {  	_ = 	snop;
	(pc) =	sbr.rel @!p0 .LBB2_12-.Ltmp8, $1  }
0x186: {  	_ =	sdelay $0x3  }
0x187: {  	s29 =	simm.s32 $0x0;
	s28 =	simm.s32 $0x3  }
.LBB2_11:
0x188: {  	v42 =	vmov s29;
	_ =	sdelay $0x4  }
0x189: {  	v42 =	vld.idx.msk [tilespmem:v42+s8+$0x0], $0xffff;
	_ =	sdelay $0x4  }
0x18a: {  	(v2sf) =	vpush v42, $0x0;
	_ =	sdelay $0xe  }
0x18b: {  	s0 =	spop (v2sf)  }
0x18c: {  	p0 =	slt.f32 s0, $5.000000070e-02;
	_ =	sdelay $0x1  }
0x18d: {  	s0 =	sadd.s32 @p0 $0xFFFFFFFD, s28  }
0x18e: {  	v42 =	vmov @p0 s0  }
0x18f: {  	v42 =	vand.u32 @p0 $0xFFFFFFFC, v42  }
0x190: {  	v42 =	vbroadcast @p0 v42, $0x0;
	_ =	sdelay $0x4  }
0x191: {  	s2 =	sadd.s32 @p0 $0xFFFFFFFE, s28;
	s0 =	simm.s32 @p0 $0x0  }
0x192: {  	s3 =	smul.u32 @p0 $0x5, s1;
	v43 =	vmov @p0 s2;
	v42 =	vld.idx.msk @p0 [tilespmem:v42+s0+$0x0], $0xffff  }
0x193: {  	v43 =	vand.u32 @p0 $0xFFFFFFFD, v43  }
0x194: {  	v44 =	vmov @p0 s3;
	v43 =	vbroadcast @p0 v43, $0x0;
	_ =	sdelay $0x2  }
0x195: {  	v42 =	vbroadcast @p0 v42, $0x0  }
0x196: {  	s2 =	simm.s32 @p0 $0x7E00  }
0x197: {  	s30 =	sadd.s32 @p0 $0xFFFFFFFF, s28;
	[tilespmem:v44+s2+$0x0] =	vst.idx.msk @p0 $0xffff, v42  }
0x198: {  	v42 =	vld.idx.msk @p0 [tilespmem:v43+s0+$0x0], $0xffff;
	v43 =	vmov @p0 s30  }
0x199: {  	s30 =	sadd.s32 @p0 $0x1, s3;
	v43 =	vand.u32 @p0 $0xFFFFFFFE, v43  }
0x19a: {  	v44 =	vmov @p0 s30;
	v43 =	vbroadcast @p0 v43, $0x0;
	_ =	sdelay $0x2  }
0x19b: {  	v42 =	vbroadcast @p0 v42, $0x0;
	_ =	sdelay $0x1  }
0x19c: {  	[tilespmem:v44+s2+$0x0] =	vst.idx.msk @p0 $0xffff, v42  }
0x19d: {  	v42 =	vld.idx.msk @p0 [tilespmem:v43+s0+$0x0], $0xffff  }
0x19e: {  	s30 =	sadd.s32 @p0 $0x2, s3  }
0x19f: {  	v43 =	vmov @p0 s30  }
0x1a0: {  	v44 =	vmov @p0 s28;
	_ =	sdelay $0x1  }
0x1a1: {  	v42 =	vbroadcast @p0 v42, $0x0;
	_ =	sdelay $0x1  }
0x1a2: {  	[tilespmem:v43+s2+$0x0] =	vst.idx.msk @p0 $0xffff, v42  }
0x1a3: {  	v42 =	vld.idx.msk @p0 [tilespmem:v44+s0+$0x0], $0xffff;
	s0 =	sadd.s32 @p0 $0x3, s3  }
0x1a4: {  	v43 =	vmov @p0 s0;
	s0 =	sadd.s32 @p0 $0x4, s3;
	s3 =	simm.s32 $0x1  }
0x1a5: {  	s3 =	simm.s32 @!p0 $0x0  }
0x1a6: {  	s1 =	sadd.s32 s3, s1  }
0x1a7: {  	p1 =	sgt.u32 s1, $0x63  }
0x1a8: {  	p2 =	slt.u32 @!p1 s29, $0x1387  }
0x1a9: {  	v44 =	vmov @p0 s0;
	p1 =	por p1, !p2  }
.Ltmp9:
0x1aa: {  	_ = 	snop;
	(pc) =	sbr.rel @!p1 .LBB2_11-.Ltmp9, $3  }
0x1ab: {  	v42 =	vbroadcast @p0 v42, $0x0;
	_ =	sdelay $0x1  }
0x1ac: {  	[tilespmem:v43+s2+$0x0] =	vst.idx.msk @p0 $0xffff, v42;
	v42 =	vimm.f32 @p0 $-Inf  }
0x1ad: {  	s28 =	sadd.s32 $0x4, s28;
	s29 =	sadd.s32 $0x1, s29;
	[tilespmem:v44+s2+$0x0] =	vst.idx.msk @p0 $0xffff, v42  }
.Ltmp10:
0x1ae: {  	_ = 	snop;
	(pc) =	sbr.rel .LBB2_12-.Ltmp10, $1  }
0x1af: {  	_ =	sdelay $0x3  }
.Lfunc_end2:
_tile_overlayer_lowered:
.L_overlay_start_2:
0x1b0: {  	(tag) =	ssettag $0x2  }
0x1b1: {  	s0 =	rddreg [dreg:$0x0];
	s2 =	stileid.u32  }
0x1b2: {  	s1 =	rddreg [dreg:$0x1];
	p0 =	sne.s32 s2, $0x0  }
0x1b3: {  	s3 =	rddreg [dreg:$0x2];
	[bflag:$0x3] =	sbarrier.arrive $0xFFFF;
	s2 =	simm.s32 @!p0 $0x1C04  }
0x1b4: {  	[timem:s3], [sflag:s2] =	dma.local @!p0 [hbm:s0], s1  }
0x1b5: {  	s0 =	simm.s32 @!p0 $0x4  }
0x1b6: {  	_ =	swait.ge @!p0 [sflag:s0], s1  }
0x1b7: {  	s1 =	ssub.s32 @!p0 $0x0, s1;
	[sflag:s0] =	ssyncset.done @!p0 $0x0  }
0x1b8: {  	[sflag:s0] =	ssyncadd.s32 @!p0 s1  }
0x1b9: {  	[bflag:$0x3] =	sbarrier.arrive $0xFFFF  }
0x1ba: {  	_ =	shalt  }

</sc_bundles>
